<compile_context>
chip_gen: v7x
topology: tpu7x:2x2x1
jax: 0.10.2.dev20260603
libtpu: 0.0.44.dev20260713+nightly
codegen_flags: <defaults>
</compile_context>

<pallas_src>
import jax
import jax.numpy as jnp
from jax.experimental import pallas as pl
from jax.experimental.pallas import tpu as pltpu
from jax.experimental.pallas import tpu_sc as plsc

B, S, D = 1, 2048, 2048
RANK, HID = 128, 128
E, TOPK = 64, 2
BLEND = min(TOPK / E, 0.9)
T = B * S
TT = 512
NT = T // TT
GTILE = 64
NROWS = 2 * T + E * (GTILE - 1) + (GTILE - (2 * T + E * (GTILE - 1)) % GTILE) % GTILE
NJ = NROWS // GTILE
SCW = 128
PCH = 256

_bf16 = jnp.bfloat16
_f32 = jnp.float32



def _route_kernel(h_ref, V_ref, Wr_ref, br_ref,
                  z_ref, w1_ref, w2_ref, me_ref, cnt_ref,
                  pos_ref, te_ref, nu_ref, aux_ref,
                  e1_ref, e2_ref, r0_ref, r1_ref, lt_ref):
    i = pl.program_id(0)
    n2 = 2 * TT

    @pl.when(i == 0)
    def _():
        me_ref[...] = jnp.zeros_like(me_ref)
        cnt_ref[...] = jnp.zeros_like(cnt_ref)
        ri = jax.lax.broadcasted_iota(jnp.int32, (PCH, PCH), 0)
        ci = jax.lax.broadcasted_iota(jnp.int32, (PCH, PCH), 1)
        lt_ref[...] = (ci < ri).astype(_bf16)

    ht = h_ref[...]
    z = jnp.dot(ht.astype(_bf16), V_ref[...].astype(_bf16),
                preferred_element_type=_f32)
    z_ref[...] = z
    logits = jnp.dot(z.astype(_bf16), Wr_ref[...].astype(_bf16),
                     preferred_element_type=_f32) + br_ref[...]
    m = jnp.max(logits, axis=-1, keepdims=True)
    ex = jnp.exp(logits - m)
    probs = ex / jnp.sum(ex, axis=-1, keepdims=True)
    i1 = jnp.argmax(probs, axis=-1)
    p1 = jnp.max(probs, axis=-1)
    iota_e = jax.lax.broadcasted_iota(jnp.int32, probs.shape, 1)
    masked = jnp.where(iota_e == i1[:, None], -jnp.inf, probs)
    i2 = jnp.argmax(masked, axis=-1)
    p2 = jnp.max(masked, axis=-1)
    s = p1 + p2
    sl = pl.ds(i * TT, TT)
    e1_ref[sl, :] = i1[:, None].astype(jnp.int32)
    e2_ref[sl, :] = i2[:, None].astype(jnp.int32)
    w1_ref[sl, :] = (p1 / s)[:, None]
    w2_ref[sl, :] = (p2 / s)[:, None]
    me_ref[...] += jnp.sum(probs, axis=0, keepdims=True)

    o1 = (iota_e == i1[:, None]).astype(_f32)
    o2 = (iota_e == i2[:, None]).astype(_f32)
    O = jnp.concatenate([o1, o2], axis=0)
    off = cnt_ref[...]
    rank_chunks = []
    for c in range(2 * TT // PCH):
        Oc = O[PCH * c:PCH * (c + 1)]
        pc = jnp.dot(lt_ref[...], Oc.astype(_bf16),
                     preferred_element_type=_f32)
        rank_chunks.append(jnp.sum(Oc * (pc + off), axis=1, keepdims=True))
        off = off + pc[PCH - 1:PCH, :] + Oc[PCH - 1:PCH, :]
    rank_all = jnp.concatenate(rank_chunks, axis=0)
    r0_ref[sl, :] = rank_all[:TT]
    r1_ref[sl, :] = rank_all[TT:]
    cnt_ref[...] = off

    @pl.when(i == NT - 1)
    def _():
        cnt = cnt_ref[...]
        p = jnp.ceil(cnt / GTILE) * GTILE
        ai = jax.lax.broadcasted_iota(jnp.int32, (E, E), 0)
        ei = jax.lax.broadcasted_iota(jnp.int32, (E, E), 1)
        Mstrict = (ai < ei).astype(_bf16)
        base = jnp.dot(p.astype(_bf16), Mstrict,
                       preferred_element_type=_f32)

        iota_te = jax.lax.broadcasted_iota(jnp.int32, (T, E), 1)
        O1 = (e1_ref[...] == iota_te).astype(_f32)
        O2 = (e2_ref[...] == iota_te).astype(_f32)
        pos0 = jnp.sum(O1 * base, axis=1, keepdims=True) + r0_ref[...]
        pos1 = jnp.sum(O2 * base, axis=1, keepdims=True) + r1_ref[...]
        pos_ref[0:T, :] = pos0.astype(jnp.int32)
        pos_ref[T:2 * T, :] = pos1.astype(jnp.int32)

        jcol = jax.lax.broadcasted_iota(jnp.int32, (NJ, E), 0).astype(_f32)
        erow = jax.lax.broadcasted_iota(jnp.int32, (NJ, E), 1).astype(_f32)
        ts = base / GTILE
        ntile = p / GTILE
        Mt = jnp.logical_and(jcol >= ts, jcol < ts + ntile)
        te_ref[...] = jnp.sum(jnp.where(Mt, erow, 0.0), axis=1,
                              keepdims=True).astype(jnp.int32)
        nu_ref[...] = (jnp.sum(p, axis=1, keepdims=True)
                       / GTILE).astype(jnp.int32)

        me = me_ref[...] / T
        fe = cnt / T
        aux_ref[...] = jnp.full((1, 1), float(E), _f32) * jnp.sum(me * fe)



def _sc_scatter(z, pos_row):
    mesh = plsc.VectorSubcoreMesh(core_axis_name="core",
                                  subcore_axis_name="subcore")

    @pl.kernel(out_type=jax.ShapeDtypeStruct((NROWS, RANK), _f32),
               mesh=mesh)
    def k(z_hbm, i_hbm, o_hbm):
        def body(z_vmem, i_vmem):
            pltpu.sync_copy(z_vmem, o_hbm.at[i_vmem])

        pltpu.emit_pipeline(
            body,
            grid=(2 * T // SCW,),
            in_specs=[
                pl.BlockSpec((SCW, RANK), lambda i: (i % (T // SCW), 0)),
                pl.BlockSpec((SCW,), lambda i: (i,)),
            ],
            out_specs=[],
            core_axis_name=("core", "subcore"),
            dimension_semantics=(pltpu.PARALLEL,),
        )(z_hbm, i_hbm)

    return k(z, pos_row)


def _sc_gather(data, pos_row):
    mesh = plsc.VectorSubcoreMesh(core_axis_name="core",
                                  subcore_axis_name="subcore")

    @pl.kernel(out_type=jax.ShapeDtypeStruct((2 * T, RANK), _f32),
               mesh=mesh)
    def k(d_hbm, i_hbm, o_hbm):
        def body(i_vmem, o_vmem):
            pltpu.sync_copy(d_hbm.at[i_vmem], o_vmem)

        pltpu.emit_pipeline(
            body,
            grid=(2 * T // SCW,),
            in_specs=[pl.BlockSpec((SCW,), lambda i: (i,))],
            out_specs=[pl.BlockSpec((SCW, RANK), lambda i: (i, 0))],
            core_axis_name=("core", "subcore"),
            dimension_semantics=(pltpu.PARALLEL,),
        )(i_hbm, o_hbm)

    return k(data, pos_row)



def _experts_kernel(te_ref, nu_ref, x_ref, W1_ref, b1_ref, W2_ref, b2_ref,
                    out_ref):
    j = pl.program_id(0)

    @pl.when(4 * j < nu_ref[0])
    def _():
        _experts_quad(te_ref, x_ref, W1_ref, b1_ref, W2_ref, b2_ref,
                      out_ref, j)


def _experts_quad(te_ref, x_ref, W1_ref, b1_ref, W2_ref, b2_ref, out_ref, j):
    for k in range(4):
        e = te_ref[4 * j + k]
        xk = x_ref[pl.ds(k * GTILE, GTILE), :].astype(_bf16)
        a = jnp.dot(xk, W1_ref[e].astype(_bf16),
                    preferred_element_type=_f32) + b1_ref[e]
        y = jax.nn.gelu(a).astype(_bf16)
        o = jnp.dot(y, W2_ref[e].astype(_bf16),
                    preferred_element_type=_f32) + b2_ref[e]
        out_ref[pl.ds(k * GTILE, GTILE), :] = o



def _recon_kernel(z_ref, g0_ref, g1_ref, w1_ref, w2_ref, U_ref, Wh_ref,
                  bh_ref, hnew_ref, p_ref):
    z_new = (w1_ref[...] * g0_ref[...]
             + w2_ref[...] * g1_ref[...])
    zfin = z_new * BLEND + z_ref[...] * (1.0 - BLEND)
    hn = jnp.dot(zfin.astype(_bf16), U_ref[...].astype(_bf16),
                 preferred_element_type=_f32)
    hnew_ref[...] = hn
    q = jnp.sum(hn * Wh_ref[...], axis=-1, keepdims=True) + bh_ref[...]
    p_ref[...] = jax.nn.sigmoid(q)


def kernel(h, V, U, Wr, br, W1, b1, W2, b2, Wh, bh):
    hf = h.reshape(T, D)
    br2 = br.reshape(1, E)
    bh2 = bh.reshape(1, 1)

    (z, w1, w2, me_sum, cnt, pos, te, nu, aux) = \
        pl.pallas_call(
            _route_kernel,
            grid=(NT,),
            in_specs=[
                pl.BlockSpec((TT, D), lambda i: (i, 0)),
                pl.BlockSpec((D, RANK), lambda i: (0, 0)),
                pl.BlockSpec((RANK, E), lambda i: (0, 0)),
                pl.BlockSpec((1, E), lambda i: (0, 0)),
            ],
            out_specs=[
                pl.BlockSpec((TT, RANK), lambda i: (i, 0)),
                pl.BlockSpec((T, 1), lambda i: (0, 0)),
                pl.BlockSpec((T, 1), lambda i: (0, 0)),
                pl.BlockSpec((1, E), lambda i: (0, 0)),
                pl.BlockSpec((1, E), lambda i: (0, 0)),
                pl.BlockSpec((2 * T, 1), lambda i: (0, 0)),
                pl.BlockSpec((NJ, 1), lambda i: (0, 0)),
                pl.BlockSpec((1, 1), lambda i: (0, 0)),
                pl.BlockSpec((1, 1), lambda i: (0, 0)),
            ],
            out_shape=[
                jax.ShapeDtypeStruct((T, RANK), _f32),
                jax.ShapeDtypeStruct((T, 1), _f32),
                jax.ShapeDtypeStruct((T, 1), _f32),
                jax.ShapeDtypeStruct((1, E), _f32),
                jax.ShapeDtypeStruct((1, E), _f32),
                jax.ShapeDtypeStruct((2 * T, 1), jnp.int32),
                jax.ShapeDtypeStruct((NJ, 1), jnp.int32),
                jax.ShapeDtypeStruct((1, 1), jnp.int32),
                jax.ShapeDtypeStruct((1, 1), _f32),
            ],
            scratch_shapes=[
                pltpu.VMEM((T, 1), jnp.int32),
                pltpu.VMEM((T, 1), jnp.int32),
                pltpu.VMEM((T, 1), _f32),
                pltpu.VMEM((T, 1), _f32),
                pltpu.VMEM((PCH, PCH), _bf16),
            ],
        )(hf, V, Wr, br2)

    pos_row = pos.reshape(2 * T)
    te_arr = te.reshape(NJ)

    x_sorted = _sc_scatter(z, pos_row)

    out_sorted = pl.pallas_call(
        _experts_kernel,
        grid_spec=pltpu.PrefetchScalarGridSpec(
            num_scalar_prefetch=2,
            grid=(NJ // 4,),
            in_specs=[
                pl.BlockSpec((4 * GTILE, RANK), lambda j, te, nu: (j, 0)),
                pl.BlockSpec((E, RANK, HID), lambda j, te, nu: (0, 0, 0)),
                pl.BlockSpec((E, 1, HID), lambda j, te, nu: (0, 0, 0)),
                pl.BlockSpec((E, HID, RANK), lambda j, te, nu: (0, 0, 0)),
                pl.BlockSpec((E, 1, RANK), lambda j, te, nu: (0, 0, 0)),
            ],
            out_specs=pl.BlockSpec((4 * GTILE, RANK),
                                   lambda j, te, nu: (j, 0)),
        ),
        out_shape=jax.ShapeDtypeStruct((NROWS, RANK), _f32),
    )(te_arr, nu.reshape(1), x_sorted,
      W1, b1.reshape(E, 1, HID), W2, b2.reshape(E, 1, RANK))

    out_slots = _sc_gather(out_sorted, pos_row)

    h_new, p = pl.pallas_call(
        _recon_kernel,
        grid=(NT,),
        in_specs=[
            pl.BlockSpec((TT, RANK), lambda i: (i, 0)),
            pl.BlockSpec((TT, RANK), lambda i: (i, 0)),
            pl.BlockSpec((TT, RANK), lambda i: (i + NT, 0)),
            pl.BlockSpec((TT, 1), lambda i: (i, 0)),
            pl.BlockSpec((TT, 1), lambda i: (i, 0)),
            pl.BlockSpec((RANK, D), lambda i: (0, 0)),
            pl.BlockSpec((1, D), lambda i: (0, 0)),
            pl.BlockSpec((1, 1), lambda i: (0, 0)),
        ],
        out_specs=[
            pl.BlockSpec((TT, D), lambda i: (i, 0)),
            pl.BlockSpec((TT, 1), lambda i: (i, 0)),
        ],
        out_shape=[
            jax.ShapeDtypeStruct((T, D), _f32),
            jax.ShapeDtypeStruct((T, 1), _f32),
        ],
    )(z, out_slots, out_slots, w1, w2, U, Wh.reshape(1, D), bh2)

    return (h_new.reshape(B, S, D), p.reshape(B, S), aux.reshape(()))

# --- scband reference (transcript-rebuilt; emitter-appended) ---
"""Pipeline reference for scband-structured-reasoner-80642305950480 (READ-ONLY COPY).

The authoritative reference and input builder live on the scoring server;
editing this copy changes nothing except your own understanding.
"""

import jax, jax.numpy as jnp
import numpy as np

B, S, D_MODEL = 1, 2048, 2048
RANK, HID = 128, 128
E, TOPK = 64, 2
MAX_BLEND = 0.9
BLEND = min(TOPK / E, MAX_BLEND)


def setup_inputs(seed: int = 0):
    key = jax.random.key(seed)
    ks = jax.random.split(key, 8)
    s = 0.02
    return {
        "h": jax.random.normal(ks[0], (B, S, D_MODEL), jnp.float32),
        "V": jax.random.normal(ks[1], (D_MODEL, RANK), jnp.float32) * s,
        "U": jax.random.normal(ks[2], (RANK, D_MODEL), jnp.float32) * s,
        "Wr": jax.random.normal(ks[3], (RANK, E), jnp.float32) * s,
        "br": jnp.zeros((E,), jnp.float32),
        "W1": jax.random.normal(ks[4], (E, RANK, HID), jnp.float32) * s,
        "b1": jnp.zeros((E, HID), jnp.float32),
        "W2": jax.random.normal(ks[5], (E, HID, RANK), jnp.float32) * s,
        "b2": jnp.zeros((E, RANK), jnp.float32),
        "Wh": jax.random.normal(ks[6], (D_MODEL, 1), jnp.float32) * s,
        "bh": jnp.zeros((1,), jnp.float32),
    }


def _moe(zf, Wr, br, W1, b1, W2, b2):
    # Router over vein subspace
    logits = zf @ Wr + br                              # [T, E]
    probs = jax.nn.softmax(logits, axis=-1)
    topw, topi = jax.lax.top_k(probs, TOPK)            # [T, k]
    topw = topw / jnp.sum(topw, axis=-1, keepdims=True)
    # Gather per-token expert weights (SparseCore-style gather) and apply experts
    h1 = jax.nn.gelu(jnp.einsum('tr,tkrh->tkh', zf, W1[topi]) + b1[topi])  # [T, k, HID]
    out = jnp.einsum('tkh,tkhr->tkr', h1, W2[topi]) + b2[topi]             # [T, k, RANK]
    z_new = jnp.sum(topw[..., None] * out, axis=1)     # [T, RANK]
    # Load-balancing aux loss
    me = jnp.mean(probs, axis=0)                       # mean router prob per expert
    fe = jnp.mean(jnp.sum(jax.nn.one_hot(topi, E, dtype=jnp.float32), axis=1), axis=0)
    aux = E * jnp.sum(me * fe)
    return z_new, aux


def reference(h, V, U, Wr, br, W1, b1, W2, b2, Wh, bh):
    Bq, Sq, D = h.shape
    z = h @ V                                          # project to vein subspace [B, S, RANK]
    zf = z.reshape(-1, RANK)
    z_new, aux = _moe(zf, Wr, br, W1, b1, W2, b2)
    z_final = z_new * BLEND + zf * (1.0 - BLEND)       # residual blend
    h_new = (z_final @ U).reshape(Bq, Sq, D)           # reconstruct to full dim
    p_halt = jax.nn.sigmoid(h_new @ Wh + bh)[..., 0]   # halting unit
    return (h_new, p_halt, aux)

if __name__ == "__main__":
    import jax
    _d = setup_inputs()
    print(jax.jit(kernel)(*tuple(_d.values())))

</pallas_src>

<mosaic_0001>
#map = affine_map<(d0, d1) -> (0, 0)>
#map1 = affine_map<(d0, d1) -> (0)>
module attributes {stable_mosaic.version = 14 : i64} {
  func.func @k(%arg0: i32, %arg1: i32, %arg2: memref<2048x128xf32, #tpu.memory_space<hbm>>, %arg3: memref<4096xi32, #tpu.memory_space<hbm>>, %arg4: memref<8128x128xf32, #tpu.memory_space<hbm>>) attributes {dimension_semantics = [#tpu.dimension_semantics<core_parallel>, #tpu.dimension_semantics<subcore_parallel>], iteration_bounds = array<i64: 2, 16>, scalar_prefetch = 0 : i64, scratch_operands = 0 : i64, tpu.core_type = #tpu.core_type<sc_vector_subcore>, window_params = [{transform_indices = #map}, {transform_indices = #map1}, {transform_indices = #map}]} {
    %mul3A = arith.constant 1 : i32
    %mul3A_0 = arith.muli %arg1, %mul3A : i32
    %add3A = arith.constant 0 : i32
    %add3A_1 = arith.addi %add3A, %mul3A_0 : i32
    %mul3A_2 = arith.constant 16 : i32
    %mul3A_3 = arith.muli %arg0, %mul3A_2 : i32
    %add3A_4 = arith.addi %add3A_1, %mul3A_3 : i32
    %mul3A_5 = arith.constant 1 : i32
    %mul3A_6 = arith.muli %add3A_4, %mul3A_5 : i32
    "tpu.region"() ({
      %run_scoped3A = memref.alloca() : memref<2x128x128xf32, #tpu.memory_space<vmem>>
      %run_scoped3A_7 = tpu.sem_alloc : memref<2x!tpu.dma_semaphore, #tpu.memory_space<semaphore_mem>>
      %run_scoped3A_8 = memref.alloca() : memref<256xi32, #tpu.memory_space<vmem>>
      %run_scoped3A_9 = tpu.sem_alloc : memref<2x!tpu.dma_semaphore, #tpu.memory_space<semaphore_mem>>
      %add3A_10 = arith.constant 0 : i32
      %add3A_11 = arith.addi %add3A_10, %mul3A_6 : i32
      %select_n3A = arith.constant true
      %select_n3A_12 = arith.constant 0 : i32
      %select_n3A_13 = arith.constant -1 : i32
      %select_n3A_14 = arith.select %select_n3A, %select_n3A_13, %select_n3A_12 : i32
      %eq3A = arith.constant -1 : i32
      %eq3A_15 = arith.cmpi eq, %select_n3A_14, %eq3A : i32
      %select_n3A_16 = arith.constant 0 : i32
      %select_n3A_17 = arith.select %eq3A_15, %select_n3A_16, %select_n3A_14 : i32
      %add3A_18 = arith.constant 0 : i32
      %add3A_19 = arith.addi %add3A_18, %mul3A_6 : i32
      %select_n3A_20 = arith.constant true
      %select_n3A_21 = arith.constant 0 : i32
      %select_n3A_22 = arith.constant 1 : i32
      %select_n3A_23 = arith.select %select_n3A_20, %select_n3A_22, %select_n3A_21 : i32
      %eq3A_24 = arith.constant 1 : i32
      %eq3A_25 = arith.cmpi eq, %select_n3A_23, %eq3A_24 : i32
      %select_n3A_26 = arith.constant 0 : i32
      %select_n3A_27 = arith.select %eq3A_25, %select_n3A_26, %select_n3A_23 : i32
      %add3A_28 = arith.constant 0 : i32
      %add3A_29 = arith.addi %add3A_28, %mul3A_6 : i32
      %select_n3A_30 = arith.constant true
      %select_n3A_31 = arith.constant 0 : i32
      %select_n3A_32 = arith.constant 1 : i32
      %select_n3A_33 = arith.select %select_n3A_30, %select_n3A_32, %select_n3A_31 : i32
      %eq3A_34 = arith.constant 1 : i32
      %eq3A_35 = arith.cmpi eq, %select_n3A_33, %eq3A_34 : i32
      %select_n3A_36 = arith.constant 0 : i32
      %select_n3A_37 = arith.select %eq3A_35, %select_n3A_36, %select_n3A_33 : i32
      %add3A_38 = arith.constant 0 : i32
      %add3A_39 = arith.addi %add3A_38, %mul3A_6 : i32
      "tpu.trace_start"() <{level = 10 : i32, message = "ep_initialize_0"}> : () -> ()
      %rem3A = arith.constant 0 : i32
      %rem3A_40 = arith.constant 2 : i32
      %rem3A_41 = arith.remui %rem3A, %rem3A_40 : i32
      %jit3A = arith.constant 16 : i32
      %eq3A_42 = arith.constant 0 : i32
      %eq3A_43 = arith.cmpi eq, %jit3A, %eq3A_42 : i32
      %jit3A_44 = arith.constant 1 : i32
      %select_n3A_45 = arith.select %eq3A_43, %jit3A_44, %jit3A : i32
      %rem3A_46 = arith.remsi %add3A_11, %select_n3A_45 : i32
      %ne3A = arith.constant 0 : i32
      %ne3A_47 = arith.cmpi ne, %rem3A_46, %ne3A : i32
      %lt3A = arith.constant 0 : i32
      %lt3A_48 = arith.cmpi slt, %rem3A_46, %lt3A : i32
      %lt3A_49 = arith.constant 0 : i32
      %lt3A_50 = arith.cmpi slt, %select_n3A_45, %lt3A_49 : i32
      %ne3A_51 = arith.xori %lt3A_48, %lt3A_50 : i1
      %and3A = arith.andi %ne3A_51, %ne3A_47 : i1
      %add3A_52 = arith.addi %rem3A_46, %select_n3A_45 : i32
      %select_n3A_53 = arith.select %and3A, %add3A_52, %rem3A_46 : i32
      %mul3A_54 = arith.constant 128 : i32
      %mul3A_55 = arith.muli %mul3A_54, %select_n3A_53 : i32
      %dma_start3A = arith.constant 0 : i32
      %dma_start3A_56 = arith.constant 0 : i32
      %dma_start3A_57 = tpu.memref_slice %run_scoped3A[%rem3A_41, %dma_start3A, %dma_start3A_56] : memref<2x128x128xf32, #tpu.memory_space<vmem>> -> memref<1x128x128xf32, #tpu.memory_space<vmem>>
      %dma_start3A_58 = tpu.memref_squeeze %dma_start3A_57 : memref<1x128x128xf32, #tpu.memory_space<vmem>> -> memref<128x128xf32, #tpu.memory_space<vmem>>
      %dma_start3A_59 = arith.constant 0 : i32
      %dma_start3A_60 = tpu.memref_slice %arg2[%mul3A_55, %dma_start3A_59] : memref<2048x128xf32, #tpu.memory_space<hbm>> -> memref<128x128xf32, #tpu.memory_space<hbm>>
      %dma_start3A_61 = tpu.memref_slice %run_scoped3A_7[%rem3A_41] : memref<2x!tpu.dma_semaphore, #tpu.memory_space<semaphore_mem>> -> memref<1x!tpu.dma_semaphore, #tpu.memory_space<semaphore_mem>>
      %dma_start3A_62 = tpu.memref_squeeze %dma_start3A_61 : memref<1x!tpu.dma_semaphore, #tpu.memory_space<semaphore_mem>> -> memref<!tpu.dma_semaphore, #tpu.memory_space<semaphore_mem>>
      %dma_start3A_63 = arith.constant 0 : i32
      %dma_start3A_64 = arith.constant 0 : i32
      %dma_start3A_65 = tpu.memref_slice %run_scoped3A[%rem3A_41, %dma_start3A_63, %dma_start3A_64] : memref<2x128x128xf32, #tpu.memory_space<vmem>> -> memref<1x128x128xf32, #tpu.memory_space<vmem>>
      %dma_start3A_66 = tpu.memref_squeeze %dma_start3A_65 : memref<1x128x128xf32, #tpu.memory_space<vmem>> -> memref<128x128xf32, #tpu.memory_space<vmem>>
      %dma_start3A_67 = arith.constant 0 : i32
      %dma_start3A_68 = tpu.memref_slice %arg2[%mul3A_55, %dma_start3A_67] : memref<2048x128xf32, #tpu.memory_space<hbm>> -> memref<128x128xf32, #tpu.memory_space<hbm>>
      tpu.enqueue_dma source(%dma_start3A_68 : memref<128x128xf32, #tpu.memory_space<hbm>>) target(%dma_start3A_66 : memref<128x128xf32, #tpu.memory_space<vmem>>) target_semaphore(%dma_start3A_62 : memref<!tpu.dma_semaphore, #tpu.memory_space<semaphore_mem>>)
      %add3A_69 = arith.constant 0 : i32
      %add3A_70 = arith.constant 1 : i32
      %add3A_71 = arith.addi %add3A_69, %add3A_70 : i32
      %select_n3A_72 = arith.constant true
      %select_n3A_73 = arith.constant 0 : i32
      %select_n3A_74 = arith.select %select_n3A_72, %add3A_71, %select_n3A_73 : i32
      %rem3A_75 = arith.constant 0 : i32
      %rem3A_76 = arith.constant 2 : i32
      %rem3A_77 = arith.remui %rem3A_75, %rem3A_76 : i32
      %mul3A_78 = arith.constant 128 : i32
      %mul3A_79 = arith.muli %mul3A_78, %add3A_11 : i32
      %mul3A_80 = arith.constant 128 : i32
      %mul3A_81 = arith.muli %rem3A_77, %mul3A_80 : i32
      %add3A_82 = arith.constant 0 : i32
      %add3A_83 = arith.addi %mul3A_81, %add3A_82 : i32
      %dma_start3A_84 = tpu.memref_slice %run_scoped3A_8[%add3A_83] : memref<256xi32, #tpu.memory_space<vmem>> -> memref<128xi32, #tpu.memory_space<vmem>>
      %dma_start3A_85 = tpu.memref_slice %arg3[%mul3A_79] : memref<4096xi32, #tpu.memory_space<hbm>> -> memref<128xi32, #tpu.memory_space<hbm>>
      %dma_start3A_86 = tpu.memref_slice %run_scoped3A_9[%rem3A_77] : memref<2x!tpu.dma_semaphore, #tpu.memory_space<semaphore_mem>> -> memref<1x!tpu.dma_semaphore, #tpu.memory_space<semaphore_mem>>
      %dma_start3A_87 = tpu.memref_squeeze %dma_start3A_86 : memref<1x!tpu.dma_semaphore, #tpu.memory_space<semaphore_mem>> -> memref<!tpu.dma_semaphore, #tpu.memory_space<semaphore_mem>>
      %dma_start3A_88 = tpu.memref_slice %run_scoped3A_8[%add3A_83] : memref<256xi32, #tpu.memory_space<vmem>> -> memref<128xi32, #tpu.memory_space<vmem>>
      %dma_start3A_89 = tpu.memref_slice %arg3[%mul3A_79] : memref<4096xi32, #tpu.memory_space<hbm>> -> memref<128xi32, #tpu.memory_space<hbm>>
      tpu.enqueue_dma source(%dma_start3A_89 : memref<128xi32, #tpu.memory_space<hbm>>) target(%dma_start3A_88 : memref<128xi32, #tpu.memory_space<vmem>>) target_semaphore(%dma_start3A_87 : memref<!tpu.dma_semaphore, #tpu.memory_space<semaphore_mem>>)
      %add3A_90 = arith.constant 0 : i32
      %add3A_91 = arith.constant 1 : i32
      %add3A_92 = arith.addi %add3A_90, %add3A_91 : i32
      %select_n3A_93 = arith.constant true
      %select_n3A_94 = arith.constant 0 : i32
      %select_n3A_95 = arith.select %select_n3A_93, %add3A_92, %select_n3A_94 : i32
      "tpu.trace_stop"() : () -> ()
      %scan3A = arith.constant 0 : i32
      %scan3A_96 = arith.constant 0 : i32
      %scan3A_97 = arith.constant 0 : i32
      %scan3A_98 = arith.constant 0 : i32
      %eq3A_99 = arith.constant 0 : i32
      %eq3A_100 = arith.cmpi eq, %scan3A_98, %eq3A_99 : i32
      %eq3A_101 = arith.constant 0 : i32
      %eq3A_102 = arith.cmpi eq, %scan3A_98, %eq3A_101 : i32
      %add3A_103 = arith.constant 0 : i32
      %add3A_104 = arith.addi %add3A_103, %mul3A_6 : i32
      %select_n3A_105 = arith.constant true
      %select_n3A_106 = arith.constant 0 : i32
      %select_n3A_107 = arith.constant -1 : i32
      %select_n3A_108 = arith.select %select_n3A_105, %select_n3A_107, %select_n3A_106 : i32
      %eq3A_109 = arith.constant -1 : i32
      %eq3A_110 = arith.cmpi eq, %select_n3A_108, %eq3A_109 : i32
      %select_n3A_111 = arith.constant 0 : i32
      %select_n3A_112 = arith.select %eq3A_110, %select_n3A_111, %select_n3A_108 : i32
      %add3A_113 = arith.constant 0 : i32
      %add3A_114 = arith.addi %add3A_113, %mul3A_6 : i32
      %select_n3A_115 = arith.constant true
      %select_n3A_116 = arith.constant 0 : i32
      %select_n3A_117 = arith.constant 1 : i32
      %select_n3A_118 = arith.select %select_n3A_115, %select_n3A_117, %select_n3A_116 : i32
      %eq3A_119 = arith.constant 1 : i32
      %eq3A_120 = arith.cmpi eq, %select_n3A_118, %eq3A_119 : i32
      %select_n3A_121 = arith.constant 0 : i32
      %select_n3A_122 = arith.select %eq3A_120, %select_n3A_121, %select_n3A_118 : i32
      %add3A_123 = arith.constant 0 : i32
      %add3A_124 = arith.addi %add3A_123, %mul3A_6 : i32
      %select_n3A_125 = arith.constant true
      %select_n3A_126 = arith.constant 0 : i32
      %select_n3A_127 = arith.constant 1 : i32
      %select_n3A_128 = arith.select %select_n3A_125, %select_n3A_127, %select_n3A_126 : i32
      %eq3A_129 = arith.constant 1 : i32
      %eq3A_130 = arith.cmpi eq, %select_n3A_128, %eq3A_129 : i32
      %select_n3A_131 = arith.constant 0 : i32
      %select_n3A_132 = arith.select %eq3A_130, %select_n3A_131, %select_n3A_128 : i32
      %add3A_133 = arith.constant 0 : i32
      %add3A_134 = arith.addi %add3A_133, %mul3A_6 : i32
      %jit3A_135 = arith.constant 16 : i32
      %eq3A_136 = arith.constant 0 : i32
      %eq3A_137 = arith.cmpi eq, %jit3A_135, %eq3A_136 : i32
      %jit3A_138 = arith.constant 1 : i32
      %select_n3A_139 = arith.select %eq3A_137, %jit3A_138, %jit3A_135 : i32
      %rem3A_140 = arith.remsi %add3A_104, %select_n3A_139 : i32
      %ne3A_141 = arith.constant 0 : i32
      %ne3A_142 = arith.cmpi ne, %rem3A_140, %ne3A_141 : i32
      %lt3A_143 = arith.constant 0 : i32
      %lt3A_144 = arith.cmpi slt, %rem3A_140, %lt3A_143 : i32
      %lt3A_145 = arith.constant 0 : i32
      %lt3A_146 = arith.cmpi slt, %select_n3A_139, %lt3A_145 : i32
      %ne3A_147 = arith.xori %lt3A_144, %lt3A_146 : i1
      %and3A_148 = arith.andi %ne3A_147, %ne3A_142 : i1
      %add3A_149 = arith.addi %rem3A_140, %select_n3A_139 : i32
      %select_n3A_150 = arith.select %and3A_148, %add3A_149, %rem3A_140 : i32
      %jit3A_151 = arith.constant 16 : i32
      %eq3A_152 = arith.constant 0 : i32
      %eq3A_153 = arith.cmpi eq, %jit3A_151, %eq3A_152 : i32
      %jit3A_154 = arith.constant 1 : i32
      %select_n3A_155 = arith.select %eq3A_153, %jit3A_154, %jit3A_151 : i32
      %rem3A_156 = arith.remsi %add3A_124, %select_n3A_155 : i32
      %ne3A_157 = arith.constant 0 : i32
      %ne3A_158 = arith.cmpi ne, %rem3A_156, %ne3A_157 : i32
      %lt3A_159 = arith.constant 0 : i32
      %lt3A_160 = arith.cmpi slt, %rem3A_156, %lt3A_159 : i32
      %lt3A_161 = arith.constant 0 : i32
      %lt3A_162 = arith.cmpi slt, %select_n3A_155, %lt3A_161 : i32
      %ne3A_163 = arith.xori %lt3A_160, %lt3A_162 : i1
      %and3A_164 = arith.andi %ne3A_163, %ne3A_158 : i1
      %add3A_165 = arith.addi %rem3A_156, %select_n3A_155 : i32
      %select_n3A_166 = arith.select %and3A_164, %add3A_165, %rem3A_156 : i32
      %ne3A_167 = arith.cmpi ne, %select_n3A_150, %select_n3A_166 : i32
      %or3A = arith.constant false
      %or3A_168 = arith.ori %or3A, %ne3A_167 : i1
      %or3A_169 = arith.constant false
      %or3A_170 = arith.ori %or3A_168, %or3A_169 : i1
      %ge3A = arith.constant 0 : i32
      %ge3A_171 = arith.cmpi sge, %scan3A_98, %ge3A : i32
      %not3A = arith.constant true
      %not3A_172 = arith.xori %ge3A_171, %not3A : i1
      %and3A_173 = arith.andi %or3A_170, %not3A_172 : i1
      %convert_element_type3A = arith.extui %and3A_173 : i1 to i32
      %cond3A = arith.constant 0 : i32
      %cond3A_174 = arith.cmpi ne, %convert_element_type3A, %cond3A : i32
      scf.if %cond3A_174 {
        "tpu.trace_start"() <{level = 10 : i32, message = "ep_copy_in"}> : () -> ()
        %rem3A_455 = arith.constant 2 : i32
        %rem3A_456 = arith.remui %select_n3A_74, %rem3A_455 : i32
        %jit3A_457 = arith.constant 16 : i32
        %eq3A_458 = arith.constant 0 : i32
        %eq3A_459 = arith.cmpi eq, %jit3A_457, %eq3A_458 : i32
        %jit3A_460 = arith.constant 1 : i32
        %select_n3A_461 = arith.select %eq3A_459, %jit3A_460, %jit3A_457 : i32
        %rem3A_462 = arith.remsi %add3A_124, %select_n3A_461 : i32
        %ne3A_463 = arith.constant 0 : i32
        %ne3A_464 = arith.cmpi ne, %rem3A_462, %ne3A_463 : i32
        %lt3A_465 = arith.constant 0 : i32
        %lt3A_466 = arith.cmpi slt, %rem3A_462, %lt3A_465 : i32
        %lt3A_467 = arith.constant 0 : i32
        %lt3A_468 = arith.cmpi slt, %select_n3A_461, %lt3A_467 : i32
        %ne3A_469 = arith.xori %lt3A_466, %lt3A_468 : i1
        %and3A_470 = arith.andi %ne3A_469, %ne3A_464 : i1
        %add3A_471 = arith.addi %rem3A_462, %select_n3A_461 : i32
        %select_n3A_472 = arith.select %and3A_470, %add3A_471, %rem3A_462 : i32
        %mul3A_473 = arith.constant 128 : i32
        %mul3A_474 = arith.muli %mul3A_473, %select_n3A_472 : i32
        %dma_start3A_475 = arith.constant 0 : i32
        %dma_start3A_476 = arith.constant 0 : i32
        %dma_start3A_477 = tpu.memref_slice %run_scoped3A[%rem3A_456, %dma_start3A_475, %dma_start3A_476] : memref<2x128x128xf32, #tpu.memory_space<vmem>> -> memref<1x128x128xf32, #tpu.memory_space<vmem>>
        %dma_start3A_478 = tpu.memref_squeeze %dma_start3A_477 : memref<1x128x128xf32, #tpu.memory_space<vmem>> -> memref<128x128xf32, #tpu.memory_space<vmem>>
        %dma_start3A_479 = arith.constant 0 : i32
        %dma_start3A_480 = tpu.memref_slice %arg2[%mul3A_474, %dma_start3A_479] : memref<2048x128xf32, #tpu.memory_space<hbm>> -> memref<128x128xf32, #tpu.memory_space<hbm>>
        %dma_start3A_481 = tpu.memref_slice %run_scoped3A_7[%rem3A_456] : memref<2x!tpu.dma_semaphore, #tpu.memory_space<semaphore_mem>> -> memref<1x!tpu.dma_semaphore, #tpu.memory_space<semaphore_mem>>
        %dma_start3A_482 = tpu.memref_squeeze %dma_start3A_481 : memref<1x!tpu.dma_semaphore, #tpu.memory_space<semaphore_mem>> -> memref<!tpu.dma_semaphore, #tpu.memory_space<semaphore_mem>>
        %dma_start3A_483 = arith.constant 0 : i32
        %dma_start3A_484 = arith.constant 0 : i32
        %dma_start3A_485 = tpu.memref_slice %run_scoped3A[%rem3A_456, %dma_start3A_483, %dma_start3A_484] : memref<2x128x128xf32, #tpu.memory_space<vmem>> -> memref<1x128x128xf32, #tpu.memory_space<vmem>>
        %dma_start3A_486 = tpu.memref_squeeze %dma_start3A_485 : memref<1x128x128xf32, #tpu.memory_space<vmem>> -> memref<128x128xf32, #tpu.memory_space<vmem>>
        %dma_start3A_487 = arith.constant 0 : i32
        %dma_start3A_488 = tpu.memref_slice %arg2[%mul3A_474, %dma_start3A_487] : memref<2048x128xf32, #tpu.memory_space<hbm>> -> memref<128x128xf32, #tpu.memory_space<hbm>>
        tpu.enqueue_dma source(%dma_start3A_488 : memref<128x128xf32, #tpu.memory_space<hbm>>) target(%dma_start3A_486 : memref<128x128xf32, #tpu.memory_space<vmem>>) target_semaphore(%dma_start3A_482 : memref<!tpu.dma_semaphore, #tpu.memory_space<semaphore_mem>>)
        "tpu.trace_stop"() : () -> ()
      } else {
      }
      %and3A_175 = arith.constant true
      %and3A_176 = arith.andi %and3A_173, %and3A_175 : i1
      %add3A_177 = arith.constant 1 : i32
      %add3A_178 = arith.addi %select_n3A_74, %add3A_177 : i32
      %select_n3A_179 = arith.select %and3A_176, %add3A_178, %select_n3A_74 : i32
      %ne3A_180 = arith.cmpi ne, %add3A_104, %add3A_124 : i32
      %or3A_181 = arith.constant false
      %or3A_182 = arith.ori %or3A_181, %ne3A_180 : i1
      %ge3A_183 = arith.constant 0 : i32
      %ge3A_184 = arith.cmpi sge, %scan3A_98, %ge3A_183 : i32
      %not3A_185 = arith.constant true
      %not3A_186 = arith.xori %ge3A_184, %not3A_185 : i1
      %and3A_187 = arith.andi %or3A_182, %not3A_186 : i1
      %convert_element_type3A_188 = arith.extui %and3A_187 : i1 to i32
      %cond3A_189 = arith.constant 0 : i32
      %cond3A_190 = arith.cmpi ne, %convert_element_type3A_188, %cond3A_189 : i32
      scf.if %cond3A_190 {
        "tpu.trace_start"() <{level = 10 : i32, message = "ep_copy_in"}> : () -> ()
        %rem3A_455 = arith.constant 2 : i32
        %rem3A_456 = arith.remui %select_n3A_95, %rem3A_455 : i32
        %mul3A_457 = arith.constant 128 : i32
        %mul3A_458 = arith.muli %mul3A_457, %add3A_124 : i32
        %mul3A_459 = arith.constant 128 : i32
        %mul3A_460 = arith.muli %rem3A_456, %mul3A_459 : i32
        %add3A_461 = arith.constant 0 : i32
        %add3A_462 = arith.addi %mul3A_460, %add3A_461 : i32
        %dma_start3A_463 = tpu.memref_slice %run_scoped3A_8[%add3A_462] : memref<256xi32, #tpu.memory_space<vmem>> -> memref<128xi32, #tpu.memory_space<vmem>>
        %dma_start3A_464 = tpu.memref_slice %arg3[%mul3A_458] : memref<4096xi32, #tpu.memory_space<hbm>> -> memref<128xi32, #tpu.memory_space<hbm>>
        %dma_start3A_465 = tpu.memref_slice %run_scoped3A_9[%rem3A_456] : memref<2x!tpu.dma_semaphore, #tpu.memory_space<semaphore_mem>> -> memref<1x!tpu.dma_semaphore, #tpu.memory_space<semaphore_mem>>
        %dma_start3A_466 = tpu.memref_squeeze %dma_start3A_465 : memref<1x!tpu.dma_semaphore, #tpu.memory_space<semaphore_mem>> -> memref<!tpu.dma_semaphore, #tpu.memory_space<semaphore_mem>>
        %dma_start3A_467 = tpu.memref_slice %run_scoped3A_8[%add3A_462] : memref<256xi32, #tpu.memory_space<vmem>> -> memref<128xi32, #tpu.memory_space<vmem>>
        %dma_start3A_468 = tpu.memref_slice %arg3[%mul3A_458] : memref<4096xi32, #tpu.memory_space<hbm>> -> memref<128xi32, #tpu.memory_space<hbm>>
        tpu.enqueue_dma source(%dma_start3A_468 : memref<128xi32, #tpu.memory_space<hbm>>) target(%dma_start3A_467 : memref<128xi32, #tpu.memory_space<vmem>>) target_semaphore(%dma_start3A_466 : memref<!tpu.dma_semaphore, #tpu.memory_space<semaphore_mem>>)
        "tpu.trace_stop"() : () -> ()
      } else {
      }
      %and3A_191 = arith.constant true
      %and3A_192 = arith.andi %and3A_187, %and3A_191 : i1
      %add3A_193 = arith.constant 1 : i32
      %add3A_194 = arith.addi %select_n3A_95, %add3A_193 : i32
      %select_n3A_195 = arith.select %and3A_192, %add3A_194, %select_n3A_95 : i32
      %jit3A_196 = arith.constant 16 : i32
      %eq3A_197 = arith.constant 0 : i32
      %eq3A_198 = arith.cmpi eq, %jit3A_196, %eq3A_197 : i32
      %jit3A_199 = arith.constant 1 : i32
      %select_n3A_200 = arith.select %eq3A_198, %jit3A_199, %jit3A_196 : i32
      %rem3A_201 = arith.remsi %add3A_104, %select_n3A_200 : i32
      %ne3A_202 = arith.constant 0 : i32
      %ne3A_203 = arith.cmpi ne, %rem3A_201, %ne3A_202 : i32
      %lt3A_204 = arith.constant 0 : i32
      %lt3A_205 = arith.cmpi slt, %rem3A_201, %lt3A_204 : i32
      %lt3A_206 = arith.constant 0 : i32
      %lt3A_207 = arith.cmpi slt, %select_n3A_200, %lt3A_206 : i32
      %ne3A_208 = arith.xori %lt3A_205, %lt3A_207 : i1
      %and3A_209 = arith.andi %ne3A_208, %ne3A_203 : i1
      %add3A_210 = arith.addi %rem3A_201, %select_n3A_200 : i32
      %select_n3A_211 = arith.select %and3A_209, %add3A_210, %rem3A_201 : i32
      %jit3A_212 = arith.constant 16 : i32
      %eq3A_213 = arith.constant 0 : i32
      %eq3A_214 = arith.cmpi eq, %jit3A_212, %eq3A_213 : i32
      %jit3A_215 = arith.constant 1 : i32
      %select_n3A_216 = arith.select %eq3A_214, %jit3A_215, %jit3A_212 : i32
      %rem3A_217 = arith.remsi %add3A_114, %select_n3A_216 : i32
      %ne3A_218 = arith.constant 0 : i32
      %ne3A_219 = arith.cmpi ne, %rem3A_217, %ne3A_218 : i32
      %lt3A_220 = arith.constant 0 : i32
      %lt3A_221 = arith.cmpi slt, %rem3A_217, %lt3A_220 : i32
      %lt3A_222 = arith.constant 0 : i32
      %lt3A_223 = arith.cmpi slt, %select_n3A_216, %lt3A_222 : i32
      %ne3A_224 = arith.xori %lt3A_221, %lt3A_223 : i1
      %and3A_225 = arith.andi %ne3A_224, %ne3A_219 : i1
      %add3A_226 = arith.addi %rem3A_217, %select_n3A_216 : i32
      %select_n3A_227 = arith.select %and3A_225, %add3A_226, %rem3A_217 : i32
      %ne3A_228 = arith.cmpi ne, %select_n3A_211, %select_n3A_227 : i32
      %or3A_229 = arith.constant false
      %or3A_230 = arith.ori %or3A_229, %ne3A_228 : i1
      %or3A_231 = arith.constant false
      %or3A_232 = arith.ori %or3A_230, %or3A_231 : i1
      %or3A_233 = arith.ori %or3A_232, %eq3A_100 : i1
      %convert_element_type3A_234 = arith.extui %or3A_233 : i1 to i32
      %cond3A_235 = arith.constant 0 : i32
      %cond3A_236 = arith.cmpi ne, %convert_element_type3A_234, %cond3A_235 : i32
      scf.if %cond3A_236 {
        %jit3A_455 = arith.constant 16 : i32
        "tpu.trace_start"() <{level = 10 : i32, message = "ep_wait_in"}> : () -> ()
        %eq3A_456 = arith.constant 0 : i32
        %eq3A_457 = arith.cmpi eq, %jit3A_455, %eq3A_456 : i32
        %jit3A_458 = arith.constant 1 : i32
        %select_n3A_459 = arith.select %eq3A_457, %jit3A_458, %jit3A_455 : i32
        %rem3A_460 = arith.remsi %add3A_104, %select_n3A_459 : i32
        %ne3A_461 = arith.constant 0 : i32
        %ne3A_462 = arith.cmpi ne, %rem3A_460, %ne3A_461 : i32
        %lt3A_463 = arith.constant 0 : i32
        %lt3A_464 = arith.cmpi slt, %rem3A_460, %lt3A_463 : i32
        %lt3A_465 = arith.constant 0 : i32
        %lt3A_466 = arith.cmpi slt, %select_n3A_459, %lt3A_465 : i32
        %ne3A_467 = arith.xori %lt3A_464, %lt3A_466 : i1
        %and3A_468 = arith.andi %ne3A_467, %ne3A_462 : i1
        %add3A_469 = arith.addi %rem3A_460, %select_n3A_459 : i32
        %select_n3A_470 = arith.select %and3A_468, %add3A_469, %rem3A_460 : i32
        %mul3A_471 = arith.constant 128 : i32
        %mul3A_472 = arith.muli %mul3A_471, %select_n3A_470 : i32
        %rem3A_473 = arith.constant 2 : i32
        %rem3A_474 = arith.remui %scan3A, %rem3A_473 : i32
        %dma_wait3A = arith.constant 0 : i32
        %dma_wait3A_475 = arith.constant 0 : i32
        %dma_wait3A_476 = tpu.memref_slice %run_scoped3A[%rem3A_474, %dma_wait3A, %dma_wait3A_475] : memref<2x128x128xf32, #tpu.memory_space<vmem>> -> memref<1x128x128xf32, #tpu.memory_space<vmem>>
        %dma_wait3A_477 = tpu.memref_squeeze %dma_wait3A_476 : memref<1x128x128xf32, #tpu.memory_space<vmem>> -> memref<128x128xf32, #tpu.memory_space<vmem>>
        %dma_wait3A_478 = arith.constant 0 : i32
        %dma_wait3A_479 = tpu.memref_slice %arg2[%mul3A_472, %dma_wait3A_478] : memref<2048x128xf32, #tpu.memory_space<hbm>> -> memref<128x128xf32, #tpu.memory_space<hbm>>
        %dma_wait3A_480 = tpu.memref_slice %run_scoped3A_7[%rem3A_474] : memref<2x!tpu.dma_semaphore, #tpu.memory_space<semaphore_mem>> -> memref<1x!tpu.dma_semaphore, #tpu.memory_space<semaphore_mem>>
        %dma_wait3A_481 = tpu.memref_squeeze %dma_wait3A_480 : memref<1x!tpu.dma_semaphore, #tpu.memory_space<semaphore_mem>> -> memref<!tpu.dma_semaphore, #tpu.memory_space<semaphore_mem>>
        %dma_wait3A_482 = arith.constant 0 : i32
        %dma_wait3A_483 = arith.constant 0 : i32
        %dma_wait3A_484 = tpu.memref_slice %run_scoped3A[%rem3A_474, %dma_wait3A_482, %dma_wait3A_483] : memref<2x128x128xf32, #tpu.memory_space<vmem>> -> memref<1x128x128xf32, #tpu.memory_space<vmem>>
        %dma_wait3A_485 = tpu.memref_squeeze %dma_wait3A_484 : memref<1x128x128xf32, #tpu.memory_space<vmem>> -> memref<128x128xf32, #tpu.memory_space<vmem>>
        %dma_wait3A_486 = arith.constant 0 : i32
        %dma_wait3A_487 = tpu.memref_slice %arg2[%mul3A_472, %dma_wait3A_486] : memref<2048x128xf32, #tpu.memory_space<hbm>> -> memref<128x128xf32, #tpu.memory_space<hbm>>
        tpu.wait_dma2 semaphore(%dma_wait3A_481 : memref<!tpu.dma_semaphore, #tpu.memory_space<semaphore_mem>>) src(%dma_wait3A_487 : memref<128x128xf32, #tpu.memory_space<hbm>>) dst(%dma_wait3A_485 : memref<128x128xf32, #tpu.memory_space<vmem>>)
        "tpu.trace_stop"() : () -> ()
      } else {
      }
      %ne3A_237 = arith.cmpi ne, %add3A_104, %add3A_114 : i32
      %or3A_238 = arith.constant false
      %or3A_239 = arith.ori %or3A_238, %ne3A_237 : i1
      %or3A_240 = arith.ori %or3A_239, %eq3A_100 : i1
      %convert_element_type3A_241 = arith.extui %or3A_240 : i1 to i32
      %cond3A_242 = arith.constant 0 : i32
      %cond3A_243 = arith.cmpi ne, %convert_element_type3A_241, %cond3A_242 : i32
      scf.if %cond3A_243 {
        "tpu.trace_start"() <{level = 10 : i32, message = "ep_wait_in"}> : () -> ()
        %mul3A_455 = arith.constant 128 : i32
        %mul3A_456 = arith.muli %mul3A_455, %add3A_104 : i32
        %rem3A_457 = arith.constant 2 : i32
        %rem3A_458 = arith.remui %scan3A_96, %rem3A_457 : i32
        %mul3A_459 = arith.constant 128 : i32
        %mul3A_460 = arith.muli %rem3A_458, %mul3A_459 : i32
        %add3A_461 = arith.constant 0 : i32
        %add3A_462 = arith.addi %mul3A_460, %add3A_461 : i32
        %dma_wait3A = tpu.memref_slice %run_scoped3A_8[%add3A_462] : memref<256xi32, #tpu.memory_space<vmem>> -> memref<128xi32, #tpu.memory_space<vmem>>
        %dma_wait3A_463 = tpu.memref_slice %arg3[%mul3A_456] : memref<4096xi32, #tpu.memory_space<hbm>> -> memref<128xi32, #tpu.memory_space<hbm>>
        %dma_wait3A_464 = tpu.memref_slice %run_scoped3A_9[%rem3A_458] : memref<2x!tpu.dma_semaphore, #tpu.memory_space<semaphore_mem>> -> memref<1x!tpu.dma_semaphore, #tpu.memory_space<semaphore_mem>>
        %dma_wait3A_465 = tpu.memref_squeeze %dma_wait3A_464 : memref<1x!tpu.dma_semaphore, #tpu.memory_space<semaphore_mem>> -> memref<!tpu.dma_semaphore, #tpu.memory_space<semaphore_mem>>
        %dma_wait3A_466 = tpu.memref_slice %run_scoped3A_8[%add3A_462] : memref<256xi32, #tpu.memory_space<vmem>> -> memref<128xi32, #tpu.memory_space<vmem>>
        %dma_wait3A_467 = tpu.memref_slice %arg3[%mul3A_456] : memref<4096xi32, #tpu.memory_space<hbm>> -> memref<128xi32, #tpu.memory_space<hbm>>
        tpu.wait_dma2 semaphore(%dma_wait3A_465 : memref<!tpu.dma_semaphore, #tpu.memory_space<semaphore_mem>>) src(%dma_wait3A_467 : memref<128xi32, #tpu.memory_space<hbm>>) dst(%dma_wait3A_466 : memref<128xi32, #tpu.memory_space<vmem>>)
        "tpu.trace_stop"() : () -> ()
      } else {
      }
      %rem3A_244 = arith.constant 2 : i32
      %rem3A_245 = arith.remui %scan3A, %rem3A_244 : i32
      %rem3A_246 = arith.constant 2 : i32
      %rem3A_247 = arith.remui %scan3A_96, %rem3A_246 : i32
      %mul3A_248 = arith.constant 128 : i32
      %mul3A_249 = arith.muli %rem3A_247, %mul3A_248 : i32
      "tpu.trace_start"() <{level = 10 : i32, message = "ep_run_kernel"}> : () -> ()
      "tpu.region"() ({
        %run_scoped3A_455 = tpu.sem_alloc : memref<!tpu.dma_semaphore, #tpu.memory_space<semaphore_mem>>
        %dma_start3A_456 = arith.constant 0 : i32
        %dma_start3A_457 = arith.constant 0 : i32
        %dma_start3A_458 = tpu.memref_slice %run_scoped3A[%rem3A_245, %dma_start3A_456, %dma_start3A_457] : memref<2x128x128xf32, #tpu.memory_space<vmem>> -> memref<1x128x128xf32, #tpu.memory_space<vmem>>
        %dma_start3A_459 = tpu.memref_squeeze %dma_start3A_458 : memref<1x128x128xf32, #tpu.memory_space<vmem>> -> memref<128x128xf32, #tpu.memory_space<vmem>>
        %dma_start3A_460 = tpu.memref_slice %run_scoped3A_8[%mul3A_249] : memref<256xi32, #tpu.memory_space<vmem>> -> memref<128xi32, #tpu.memory_space<vmem>>
        %dma_start3A_461 = arith.constant 0 : i32
        %dma_start3A_462 = arith.constant 0 : i32
        %dma_start3A_463 = tpu.memref_slice %arg4[%dma_start3A_461, %dma_start3A_462] : memref<8128x128xf32, #tpu.memory_space<hbm>> -> memref<8128x128xf32, #tpu.memory_space<hbm>>
        tpu.enqueue_indirect_dma source(%dma_start3A_459 : memref<128x128xf32, #tpu.memory_space<vmem>>) target(%dma_start3A_463 : memref<8128x128xf32, #tpu.memory_space<hbm>>) offsets(%dma_start3A_460 : memref<128xi32, #tpu.memory_space<vmem>>) semaphore(%run_scoped3A_455 : memref<!tpu.dma_semaphore, #tpu.memory_space<semaphore_mem>>)
        %dma_wait3A = arith.constant 0 : i32
        %dma_wait3A_464 = arith.constant 0 : i32
        %dma_wait3A_465 = tpu.memref_slice %run_scoped3A[%rem3A_245, %dma_wait3A, %dma_wait3A_464] : memref<2x128x128xf32, #tpu.memory_space<vmem>> -> memref<1x128x128xf32, #tpu.memory_space<vmem>>
        %dma_wait3A_466 = tpu.memref_squeeze %dma_wait3A_465 : memref<1x128x128xf32, #tpu.memory_space<vmem>> -> memref<128x128xf32, #tpu.memory_space<vmem>>
        %dma_wait3A_467 = tpu.memref_slice %run_scoped3A_8[%mul3A_249] : memref<256xi32, #tpu.memory_space<vmem>> -> memref<128xi32, #tpu.memory_space<vmem>>
        %dma_wait3A_468 = arith.constant 0 : i32
        %dma_wait3A_469 = arith.constant 0 : i32
        %dma_wait3A_470 = tpu.memref_slice %arg4[%dma_wait3A_468, %dma_wait3A_469] : memref<8128x128xf32, #tpu.memory_space<hbm>> -> memref<8128x128xf32, #tpu.memory_space<hbm>>
        tpu.wait_indirect_dma semaphore(%run_scoped3A_455 : memref<!tpu.dma_semaphore, #tpu.memory_space<semaphore_mem>>) src(%dma_wait3A_466 : memref<128x128xf32, #tpu.memory_space<vmem>>) dst(%dma_wait3A_470 : memref<8128x128xf32, #tpu.memory_space<hbm>>)
        tpu.yield
      }) : () -> ()
      %jit3A_250 = arith.constant 16 : i32
      "tpu.trace_stop"() : () -> ()
      %eq3A_251 = arith.constant 0 : i32
      %eq3A_252 = arith.cmpi eq, %jit3A_250, %eq3A_251 : i32
      %jit3A_253 = arith.constant 1 : i32
      %select_n3A_254 = arith.select %eq3A_252, %jit3A_253, %jit3A_250 : i32
      %rem3A_255 = arith.remsi %add3A_104, %select_n3A_254 : i32
      %ne3A_256 = arith.constant 0 : i32
      %ne3A_257 = arith.cmpi ne, %rem3A_255, %ne3A_256 : i32
      %lt3A_258 = arith.constant 0 : i32
      %lt3A_259 = arith.cmpi slt, %rem3A_255, %lt3A_258 : i32
      %lt3A_260 = arith.constant 0 : i32
      %lt3A_261 = arith.cmpi slt, %select_n3A_254, %lt3A_260 : i32
      %ne3A_262 = arith.xori %lt3A_259, %lt3A_261 : i1
      %and3A_263 = arith.andi %ne3A_262, %ne3A_257 : i1
      %add3A_264 = arith.addi %rem3A_255, %select_n3A_254 : i32
      %select_n3A_265 = arith.select %and3A_263, %add3A_264, %rem3A_255 : i32
      %jit3A_266 = arith.constant 16 : i32
      %eq3A_267 = arith.constant 0 : i32
      %eq3A_268 = arith.cmpi eq, %jit3A_266, %eq3A_267 : i32
      %jit3A_269 = arith.constant 1 : i32
      %select_n3A_270 = arith.select %eq3A_268, %jit3A_269, %jit3A_266 : i32
      %rem3A_271 = arith.remsi %add3A_124, %select_n3A_270 : i32
      %ne3A_272 = arith.constant 0 : i32
      %ne3A_273 = arith.cmpi ne, %rem3A_271, %ne3A_272 : i32
      %lt3A_274 = arith.constant 0 : i32
      %lt3A_275 = arith.cmpi slt, %rem3A_271, %lt3A_274 : i32
      %lt3A_276 = arith.constant 0 : i32
      %lt3A_277 = arith.cmpi slt, %select_n3A_270, %lt3A_276 : i32
      %ne3A_278 = arith.xori %lt3A_275, %lt3A_277 : i1
      %and3A_279 = arith.andi %ne3A_278, %ne3A_273 : i1
      %add3A_280 = arith.addi %rem3A_271, %select_n3A_270 : i32
      %select_n3A_281 = arith.select %and3A_279, %add3A_280, %rem3A_271 : i32
      %ne3A_282 = arith.cmpi ne, %select_n3A_265, %select_n3A_281 : i32
      %or3A_283 = arith.constant false
      %or3A_284 = arith.ori %or3A_283, %ne3A_282 : i1
      %or3A_285 = arith.constant false
      %or3A_286 = arith.ori %or3A_284, %or3A_285 : i1
      %or3A_287 = arith.ori %or3A_286, %eq3A_102 : i1
      %convert_element_type3A_288 = arith.extui %or3A_287 : i1 to i32
      %cond3A_289 = arith.constant 0 : i32
      %cond3A_290 = arith.cmpi ne, %convert_element_type3A_288, %cond3A_289 : i32
      scf.if %cond3A_290 {
      } else {
      }
      %and3A_291 = arith.constant false
      %and3A_292 = arith.andi %or3A_287, %and3A_291 : i1
      %ne3A_293 = arith.cmpi ne, %add3A_104, %add3A_124 : i32
      %or3A_294 = arith.constant false
      %or3A_295 = arith.ori %or3A_294, %ne3A_293 : i1
      %or3A_296 = arith.ori %or3A_295, %eq3A_102 : i1
      %convert_element_type3A_297 = arith.extui %or3A_296 : i1 to i32
      %cond3A_298 = arith.constant 0 : i32
      %cond3A_299 = arith.cmpi ne, %convert_element_type3A_297, %cond3A_298 : i32
      scf.if %cond3A_299 {
      } else {
      }
      %and3A_300 = arith.constant false
      %and3A_301 = arith.andi %or3A_296, %and3A_300 : i1
      %jit3A_302 = arith.constant 16 : i32
      %eq3A_303 = arith.constant 0 : i32
      %eq3A_304 = arith.cmpi eq, %jit3A_302, %eq3A_303 : i32
      %jit3A_305 = arith.constant 1 : i32
      %select_n3A_306 = arith.select %eq3A_304, %jit3A_305, %jit3A_302 : i32
      %rem3A_307 = arith.remsi %add3A_104, %select_n3A_306 : i32
      %ne3A_308 = arith.constant 0 : i32
      %ne3A_309 = arith.cmpi ne, %rem3A_307, %ne3A_308 : i32
      %lt3A_310 = arith.constant 0 : i32
      %lt3A_311 = arith.cmpi slt, %rem3A_307, %lt3A_310 : i32
      %lt3A_312 = arith.constant 0 : i32
      %lt3A_313 = arith.cmpi slt, %select_n3A_306, %lt3A_312 : i32
      %ne3A_314 = arith.xori %lt3A_311, %lt3A_313 : i1
      %and3A_315 = arith.andi %ne3A_314, %ne3A_309 : i1
      %add3A_316 = arith.addi %rem3A_307, %select_n3A_306 : i32
      %select_n3A_317 = arith.select %and3A_315, %add3A_316, %rem3A_307 : i32
      %jit3A_318 = arith.constant 16 : i32
      %eq3A_319 = arith.constant 0 : i32
      %eq3A_320 = arith.cmpi eq, %jit3A_318, %eq3A_319 : i32
      %jit3A_321 = arith.constant 1 : i32
      %select_n3A_322 = arith.select %eq3A_320, %jit3A_321, %jit3A_318 : i32
      %rem3A_323 = arith.remsi %add3A_114, %select_n3A_322 : i32
      %ne3A_324 = arith.constant 0 : i32
      %ne3A_325 = arith.cmpi ne, %rem3A_323, %ne3A_324 : i32
      %lt3A_326 = arith.constant 0 : i32
      %lt3A_327 = arith.cmpi slt, %rem3A_323, %lt3A_326 : i32
      %lt3A_328 = arith.constant 0 : i32
      %lt3A_329 = arith.cmpi slt, %select_n3A_322, %lt3A_328 : i32
      %ne3A_330 = arith.xori %lt3A_327, %lt3A_329 : i1
      %and3A_331 = arith.andi %ne3A_330, %ne3A_325 : i1
      %add3A_332 = arith.addi %rem3A_323, %select_n3A_322 : i32
      %select_n3A_333 = arith.select %and3A_331, %add3A_332, %rem3A_323 : i32
      %ne3A_334 = arith.cmpi ne, %select_n3A_317, %select_n3A_333 : i32
      %or3A_335 = arith.constant false
      %or3A_336 = arith.ori %or3A_335, %ne3A_334 : i1
      %or3A_337 = arith.constant false
      %or3A_338 = arith.ori %or3A_336, %or3A_337 : i1
      %not3A_339 = arith.constant true
      %not3A_340 = arith.xori %eq3A_100, %not3A_339 : i1
      %and3A_341 = arith.andi %or3A_338, %not3A_340 : i1
      %convert_element_type3A_342 = arith.extui %and3A_341 : i1 to i32
      %cond3A_343 = arith.constant 0 : i32
      %cond3A_344 = arith.cmpi ne, %convert_element_type3A_342, %cond3A_343 : i32
      scf.if %cond3A_344 {
      } else {
      }
      %and3A_345 = arith.constant false
      %and3A_346 = arith.andi %and3A_341, %and3A_345 : i1
      %ne3A_347 = arith.cmpi ne, %add3A_104, %add3A_114 : i32
      %or3A_348 = arith.constant false
      %or3A_349 = arith.ori %or3A_348, %ne3A_347 : i1
      %not3A_350 = arith.constant true
      %not3A_351 = arith.xori %eq3A_100, %not3A_350 : i1
      %and3A_352 = arith.andi %or3A_349, %not3A_351 : i1
      %convert_element_type3A_353 = arith.extui %and3A_352 : i1 to i32
      %cond3A_354 = arith.constant 0 : i32
      %cond3A_355 = arith.cmpi ne, %convert_element_type3A_353, %cond3A_354 : i32
      scf.if %cond3A_355 {
      } else {
      }
      %and3A_356 = arith.constant false
      %and3A_357 = arith.andi %and3A_352, %and3A_356 : i1
      %jit3A_358 = arith.constant 16 : i32
      %eq3A_359 = arith.constant 0 : i32
      %eq3A_360 = arith.cmpi eq, %jit3A_358, %eq3A_359 : i32
      %jit3A_361 = arith.constant 1 : i32
      %select_n3A_362 = arith.select %eq3A_360, %jit3A_361, %jit3A_358 : i32
      %rem3A_363 = arith.remsi %add3A_104, %select_n3A_362 : i32
      %ne3A_364 = arith.constant 0 : i32
      %ne3A_365 = arith.cmpi ne, %rem3A_363, %ne3A_364 : i32
      %lt3A_366 = arith.constant 0 : i32
      %lt3A_367 = arith.cmpi slt, %rem3A_363, %lt3A_366 : i32
      %lt3A_368 = arith.constant 0 : i32
      %lt3A_369 = arith.cmpi slt, %select_n3A_362, %lt3A_368 : i32
      %ne3A_370 = arith.xori %lt3A_367, %lt3A_369 : i1
      %and3A_371 = arith.andi %ne3A_370, %ne3A_365 : i1
      %add3A_372 = arith.addi %rem3A_363, %select_n3A_362 : i32
      %select_n3A_373 = arith.select %and3A_371, %add3A_372, %rem3A_363 : i32
      %jit3A_374 = arith.constant 16 : i32
      %eq3A_375 = arith.constant 0 : i32
      %eq3A_376 = arith.cmpi eq, %jit3A_374, %eq3A_375 : i32
      %jit3A_377 = arith.constant 1 : i32
      %select_n3A_378 = arith.select %eq3A_376, %jit3A_377, %jit3A_374 : i32
      %rem3A_379 = arith.remsi %add3A_124, %select_n3A_378 : i32
      %ne3A_380 = arith.constant 0 : i32
      %ne3A_381 = arith.cmpi ne, %rem3A_379, %ne3A_380 : i32
      %lt3A_382 = arith.constant 0 : i32
      %lt3A_383 = arith.cmpi slt, %rem3A_379, %lt3A_382 : i32
      %lt3A_384 = arith.constant 0 : i32
      %lt3A_385 = arith.cmpi slt, %select_n3A_378, %lt3A_384 : i32
      %ne3A_386 = arith.xori %lt3A_383, %lt3A_385 : i1
      %and3A_387 = arith.andi %ne3A_386, %ne3A_381 : i1
      %add3A_388 = arith.addi %rem3A_379, %select_n3A_378 : i32
      %select_n3A_389 = arith.select %and3A_387, %add3A_388, %rem3A_379 : i32
      %ne3A_390 = arith.cmpi ne, %select_n3A_373, %select_n3A_389 : i32
      %or3A_391 = arith.constant false
      %or3A_392 = arith.ori %or3A_391, %ne3A_390 : i1
      %or3A_393 = arith.constant false
      %or3A_394 = arith.ori %or3A_392, %or3A_393 : i1
      %or3A_395 = arith.ori %or3A_394, %eq3A_102 : i1
      %add3A_396 = arith.constant 1 : i32
      %add3A_397 = arith.addi %scan3A, %add3A_396 : i32
      %select_n3A_398 = arith.select %or3A_395, %add3A_397, %scan3A : i32
      %ne3A_399 = arith.cmpi ne, %add3A_104, %add3A_124 : i32
      %or3A_400 = arith.constant false
      %or3A_401 = arith.ori %or3A_400, %ne3A_399 : i1
      %or3A_402 = arith.ori %or3A_401, %eq3A_102 : i1
      %add3A_403 = arith.constant 1 : i32
      %add3A_404 = arith.addi %scan3A_96, %add3A_403 : i32
      %select_n3A_405 = arith.select %or3A_402, %add3A_404, %scan3A_96 : i32
      %select_n3A_406 = arith.constant true
      %select_n3A_407 = arith.constant 0 : i32
      %select_n3A_408 = arith.constant 1 : i32
      %select_n3A_409 = arith.select %select_n3A_406, %select_n3A_408, %select_n3A_407 : i32
      %eq3A_410 = arith.constant 1 : i32
      %eq3A_411 = arith.cmpi eq, %select_n3A_409, %eq3A_410 : i32
      %select_n3A_412 = arith.constant 0 : i32
      %select_n3A_413 = arith.select %eq3A_411, %select_n3A_412, %select_n3A_409 : i32
      %scan3A_414 = arith.constant 0 : i32
      %scan3A_415 = arith.constant 1 : i32
      %sub3A = arith.constant 1 : i32
      %sub3A_416 = arith.subi %scan3A_414, %sub3A : i32
      %select_n3A_417 = arith.constant true
      %select_n3A_418 = arith.select %select_n3A_417, %sub3A_416, %scan3A_414 : i32
      %eq3A_419 = arith.constant -1 : i32
      %eq3A_420 = arith.cmpi eq, %select_n3A_418, %eq3A_419 : i32
      %select_n3A_421 = arith.constant 0 : i32
      %select_n3A_422 = arith.select %eq3A_420, %select_n3A_421, %select_n3A_418 : i32
      %add3A_423 = arith.constant 0 : i32
      %add3A_424 = arith.addi %add3A_423, %mul3A_6 : i32
      %select_n3A_425 = arith.constant true
      %select_n3A_426 = arith.constant 0 : i32
      %select_n3A_427 = arith.constant -1 : i32
      %select_n3A_428 = arith.select %select_n3A_425, %select_n3A_427, %select_n3A_426 : i32
      %eq3A_429 = arith.constant -1 : i32
      %eq3A_430 = arith.cmpi eq, %select_n3A_428, %eq3A_429 : i32
      %select_n3A_431 = arith.constant 0 : i32
      %select_n3A_432 = arith.select %eq3A_430, %select_n3A_431, %select_n3A_428 : i32
      %add3A_433 = arith.constant 0 : i32
      %add3A_434 = arith.addi %add3A_433, %mul3A_6 : i32
      %select_n3A_435 = arith.constant true
      %select_n3A_436 = arith.constant 0 : i32
      %select_n3A_437 = arith.constant 1 : i32
      %select_n3A_438 = arith.select %select_n3A_435, %select_n3A_437, %select_n3A_436 : i32
      %eq3A_439 = arith.constant 1 : i32
      %eq3A_440 = arith.cmpi eq, %select_n3A_438, %eq3A_439 : i32
      %select_n3A_441 = arith.constant 0 : i32
      %select_n3A_442 = arith.select %eq3A_440, %select_n3A_441, %select_n3A_438 : i32
      %add3A_443 = arith.constant 0 : i32
      %add3A_444 = arith.addi %add3A_443, %mul3A_6 : i32
      %select_n3A_445 = arith.constant true
      %select_n3A_446 = arith.constant 0 : i32
      %select_n3A_447 = arith.constant 1 : i32
      %select_n3A_448 = arith.select %select_n3A_445, %select_n3A_447, %select_n3A_446 : i32
      %eq3A_449 = arith.constant 1 : i32
      %eq3A_450 = arith.cmpi eq, %select_n3A_448, %eq3A_449 : i32
      %select_n3A_451 = arith.constant 0 : i32
      %select_n3A_452 = arith.select %eq3A_450, %select_n3A_451, %select_n3A_448 : i32
      %add3A_453 = arith.constant 0 : i32
      %add3A_454 = arith.addi %add3A_453, %mul3A_6 : i32
      tpu.yield
    }) : () -> ()
    return
  }
}

#map = affine_map<(d0, d1) -> (0, 0)>
#map1 = affine_map<(d0, d1) -> (0)>
module attributes {stable_mosaic.version = 14 : i64} {
  func.func @k(%arg0: i32, %arg1: i32, %arg2: memref<8128x128xf32, #tpu.memory_space<hbm>>, %arg3: memref<4096xi32, #tpu.memory_space<hbm>>, %arg4: memref<4096x128xf32, #tpu.memory_space<hbm>>) attributes {dimension_semantics = [#tpu.dimension_semantics<core_parallel>, #tpu.dimension_semantics<subcore_parallel>], iteration_bounds = array<i64: 2, 16>, scalar_prefetch = 0 : i64, scratch_operands = 0 : i64, tpu.core_type = #tpu.core_type<sc_vector_subcore>, window_params = [{transform_indices = #map}, {transform_indices = #map1}, {transform_indices = #map}]} {
    %mul3A = arith.constant 1 : i32
    %mul3A_0 = arith.muli %arg1, %mul3A : i32
    %add3A = arith.constant 0 : i32
    %add3A_1 = arith.addi %add3A, %mul3A_0 : i32
    %mul3A_2 = arith.constant 16 : i32
    %mul3A_3 = arith.muli %arg0, %mul3A_2 : i32
    %add3A_4 = arith.addi %add3A_1, %mul3A_3 : i32
    %mul3A_5 = arith.constant 1 : i32
    %mul3A_6 = arith.muli %add3A_4, %mul3A_5 : i32
    "tpu.region"() ({
      %run_scoped3A = memref.alloca() : memref<256xi32, #tpu.memory_space<vmem>>
      %run_scoped3A_7 = tpu.sem_alloc : memref<2x!tpu.dma_semaphore, #tpu.memory_space<semaphore_mem>>
      %run_scoped3A_8 = memref.alloca() : memref<2x128x128xf32, #tpu.memory_space<vmem>>
      %run_scoped3A_9 = tpu.sem_alloc : memref<2x!tpu.dma_semaphore, #tpu.memory_space<semaphore_mem>>
      %add3A_10 = arith.constant 0 : i32
      %add3A_11 = arith.addi %add3A_10, %mul3A_6 : i32
      %select_n3A = arith.constant true
      %select_n3A_12 = arith.constant 0 : i32
      %select_n3A_13 = arith.constant -1 : i32
      %select_n3A_14 = arith.select %select_n3A, %select_n3A_13, %select_n3A_12 : i32
      %eq3A = arith.constant -1 : i32
      %eq3A_15 = arith.cmpi eq, %select_n3A_14, %eq3A : i32
      %select_n3A_16 = arith.constant 0 : i32
      %select_n3A_17 = arith.select %eq3A_15, %select_n3A_16, %select_n3A_14 : i32
      %add3A_18 = arith.constant 0 : i32
      %add3A_19 = arith.addi %add3A_18, %mul3A_6 : i32
      %select_n3A_20 = arith.constant true
      %select_n3A_21 = arith.constant 0 : i32
      %select_n3A_22 = arith.constant 1 : i32
      %select_n3A_23 = arith.select %select_n3A_20, %select_n3A_22, %select_n3A_21 : i32
      %eq3A_24 = arith.constant 1 : i32
      %eq3A_25 = arith.cmpi eq, %select_n3A_23, %eq3A_24 : i32
      %select_n3A_26 = arith.constant 0 : i32
      %select_n3A_27 = arith.select %eq3A_25, %select_n3A_26, %select_n3A_23 : i32
      %add3A_28 = arith.constant 0 : i32
      %add3A_29 = arith.addi %add3A_28, %mul3A_6 : i32
      %select_n3A_30 = arith.constant true
      %select_n3A_31 = arith.constant 0 : i32
      %select_n3A_32 = arith.constant 1 : i32
      %select_n3A_33 = arith.select %select_n3A_30, %select_n3A_32, %select_n3A_31 : i32
      %eq3A_34 = arith.constant 1 : i32
      %eq3A_35 = arith.cmpi eq, %select_n3A_33, %eq3A_34 : i32
      %select_n3A_36 = arith.constant 0 : i32
      %select_n3A_37 = arith.select %eq3A_35, %select_n3A_36, %select_n3A_33 : i32
      %add3A_38 = arith.constant 0 : i32
      %add3A_39 = arith.addi %add3A_38, %mul3A_6 : i32
      "tpu.trace_start"() <{level = 10 : i32, message = "ep_initialize_0"}> : () -> ()
      %rem3A = arith.constant 0 : i32
      %rem3A_40 = arith.constant 2 : i32
      %rem3A_41 = arith.remui %rem3A, %rem3A_40 : i32
      %mul3A_42 = arith.constant 128 : i32
      %mul3A_43 = arith.muli %mul3A_42, %add3A_11 : i32
      %mul3A_44 = arith.constant 128 : i32
      %mul3A_45 = arith.muli %rem3A_41, %mul3A_44 : i32
      %add3A_46 = arith.constant 0 : i32
      %add3A_47 = arith.addi %mul3A_45, %add3A_46 : i32
      %dma_start3A = tpu.memref_slice %run_scoped3A[%add3A_47] : memref<256xi32, #tpu.memory_space<vmem>> -> memref<128xi32, #tpu.memory_space<vmem>>
      %dma_start3A_48 = tpu.memref_slice %arg3[%mul3A_43] : memref<4096xi32, #tpu.memory_space<hbm>> -> memref<128xi32, #tpu.memory_space<hbm>>
      %dma_start3A_49 = tpu.memref_slice %run_scoped3A_7[%rem3A_41] : memref<2x!tpu.dma_semaphore, #tpu.memory_space<semaphore_mem>> -> memref<1x!tpu.dma_semaphore, #tpu.memory_space<semaphore_mem>>
      %dma_start3A_50 = tpu.memref_squeeze %dma_start3A_49 : memref<1x!tpu.dma_semaphore, #tpu.memory_space<semaphore_mem>> -> memref<!tpu.dma_semaphore, #tpu.memory_space<semaphore_mem>>
      %dma_start3A_51 = tpu.memref_slice %run_scoped3A[%add3A_47] : memref<256xi32, #tpu.memory_space<vmem>> -> memref<128xi32, #tpu.memory_space<vmem>>
      %dma_start3A_52 = tpu.memref_slice %arg3[%mul3A_43] : memref<4096xi32, #tpu.memory_space<hbm>> -> memref<128xi32, #tpu.memory_space<hbm>>
      tpu.enqueue_dma source(%dma_start3A_52 : memref<128xi32, #tpu.memory_space<hbm>>) target(%dma_start3A_51 : memref<128xi32, #tpu.memory_space<vmem>>) target_semaphore(%dma_start3A_50 : memref<!tpu.dma_semaphore, #tpu.memory_space<semaphore_mem>>)
      %add3A_53 = arith.constant 0 : i32
      %add3A_54 = arith.constant 1 : i32
      %add3A_55 = arith.addi %add3A_53, %add3A_54 : i32
      %select_n3A_56 = arith.constant true
      %select_n3A_57 = arith.constant 0 : i32
      %select_n3A_58 = arith.select %select_n3A_56, %add3A_55, %select_n3A_57 : i32
      "tpu.trace_stop"() : () -> ()
      %scan3A = arith.constant 0 : i32
      %scan3A_59 = arith.constant 0 : i32
      %scan3A_60 = arith.constant 0 : i32
      %scan3A_61 = arith.constant 0 : i32
      %scan3A_62 = arith.constant 0 : i32
      %eq3A_63 = arith.constant 0 : i32
      %eq3A_64 = arith.cmpi eq, %scan3A_62, %eq3A_63 : i32
      %eq3A_65 = arith.constant 0 : i32
      %eq3A_66 = arith.cmpi eq, %scan3A_62, %eq3A_65 : i32
      %add3A_67 = arith.constant 0 : i32
      %add3A_68 = arith.addi %add3A_67, %mul3A_6 : i32
      %select_n3A_69 = arith.constant true
      %select_n3A_70 = arith.constant 0 : i32
      %select_n3A_71 = arith.constant -1 : i32
      %select_n3A_72 = arith.select %select_n3A_69, %select_n3A_71, %select_n3A_70 : i32
      %eq3A_73 = arith.constant -1 : i32
      %eq3A_74 = arith.cmpi eq, %select_n3A_72, %eq3A_73 : i32
      %select_n3A_75 = arith.constant 0 : i32
      %select_n3A_76 = arith.select %eq3A_74, %select_n3A_75, %select_n3A_72 : i32
      %add3A_77 = arith.constant 0 : i32
      %add3A_78 = arith.addi %add3A_77, %mul3A_6 : i32
      %select_n3A_79 = arith.constant true
      %select_n3A_80 = arith.constant 0 : i32
      %select_n3A_81 = arith.constant 1 : i32
      %select_n3A_82 = arith.select %select_n3A_79, %select_n3A_81, %select_n3A_80 : i32
      %eq3A_83 = arith.constant 1 : i32
      %eq3A_84 = arith.cmpi eq, %select_n3A_82, %eq3A_83 : i32
      %select_n3A_85 = arith.constant 0 : i32
      %select_n3A_86 = arith.select %eq3A_84, %select_n3A_85, %select_n3A_82 : i32
      %add3A_87 = arith.constant 0 : i32
      %add3A_88 = arith.addi %add3A_87, %mul3A_6 : i32
      %select_n3A_89 = arith.constant true
      %select_n3A_90 = arith.constant 0 : i32
      %select_n3A_91 = arith.constant 1 : i32
      %select_n3A_92 = arith.select %select_n3A_89, %select_n3A_91, %select_n3A_90 : i32
      %eq3A_93 = arith.constant 1 : i32
      %eq3A_94 = arith.cmpi eq, %select_n3A_92, %eq3A_93 : i32
      %select_n3A_95 = arith.constant 0 : i32
      %select_n3A_96 = arith.select %eq3A_94, %select_n3A_95, %select_n3A_92 : i32
      %add3A_97 = arith.constant 0 : i32
      %add3A_98 = arith.addi %add3A_97, %mul3A_6 : i32
      %ne3A = arith.cmpi ne, %add3A_68, %add3A_88 : i32
      %or3A = arith.constant false
      %or3A_99 = arith.ori %or3A, %ne3A : i1
      %ge3A = arith.constant 0 : i32
      %ge3A_100 = arith.cmpi sge, %scan3A_62, %ge3A : i32
      %not3A = arith.constant true
      %not3A_101 = arith.xori %ge3A_100, %not3A : i1
      %and3A = arith.andi %or3A_99, %not3A_101 : i1
      %convert_element_type3A = arith.extui %and3A : i1 to i32
      %cond3A = arith.constant 0 : i32
      %cond3A_102 = arith.cmpi ne, %convert_element_type3A, %cond3A : i32
      scf.if %cond3A_102 {
        "tpu.trace_start"() <{level = 10 : i32, message = "ep_copy_in"}> : () -> ()
        %rem3A_263 = arith.constant 2 : i32
        %rem3A_264 = arith.remui %select_n3A_58, %rem3A_263 : i32
        %mul3A_265 = arith.constant 128 : i32
        %mul3A_266 = arith.muli %mul3A_265, %add3A_88 : i32
        %mul3A_267 = arith.constant 128 : i32
        %mul3A_268 = arith.muli %rem3A_264, %mul3A_267 : i32
        %add3A_269 = arith.constant 0 : i32
        %add3A_270 = arith.addi %mul3A_268, %add3A_269 : i32
        %dma_start3A_271 = tpu.memref_slice %run_scoped3A[%add3A_270] : memref<256xi32, #tpu.memory_space<vmem>> -> memref<128xi32, #tpu.memory_space<vmem>>
        %dma_start3A_272 = tpu.memref_slice %arg3[%mul3A_266] : memref<4096xi32, #tpu.memory_space<hbm>> -> memref<128xi32, #tpu.memory_space<hbm>>
        %dma_start3A_273 = tpu.memref_slice %run_scoped3A_7[%rem3A_264] : memref<2x!tpu.dma_semaphore, #tpu.memory_space<semaphore_mem>> -> memref<1x!tpu.dma_semaphore, #tpu.memory_space<semaphore_mem>>
        %dma_start3A_274 = tpu.memref_squeeze %dma_start3A_273 : memref<1x!tpu.dma_semaphore, #tpu.memory_space<semaphore_mem>> -> memref<!tpu.dma_semaphore, #tpu.memory_space<semaphore_mem>>
        %dma_start3A_275 = tpu.memref_slice %run_scoped3A[%add3A_270] : memref<256xi32, #tpu.memory_space<vmem>> -> memref<128xi32, #tpu.memory_space<vmem>>
        %dma_start3A_276 = tpu.memref_slice %arg3[%mul3A_266] : memref<4096xi32, #tpu.memory_space<hbm>> -> memref<128xi32, #tpu.memory_space<hbm>>
        tpu.enqueue_dma source(%dma_start3A_276 : memref<128xi32, #tpu.memory_space<hbm>>) target(%dma_start3A_275 : memref<128xi32, #tpu.memory_space<vmem>>) target_semaphore(%dma_start3A_274 : memref<!tpu.dma_semaphore, #tpu.memory_space<semaphore_mem>>)
        "tpu.trace_stop"() : () -> ()
      } else {
      }
      %and3A_103 = arith.constant true
      %and3A_104 = arith.andi %and3A, %and3A_103 : i1
      %add3A_105 = arith.constant 1 : i32
      %add3A_106 = arith.addi %select_n3A_58, %add3A_105 : i32
      %select_n3A_107 = arith.select %and3A_104, %add3A_106, %select_n3A_58 : i32
      %ne3A_108 = arith.cmpi ne, %add3A_68, %add3A_88 : i32
      %or3A_109 = arith.constant false
      %or3A_110 = arith.ori %or3A_109, %ne3A_108 : i1
      %or3A_111 = arith.constant false
      %or3A_112 = arith.ori %or3A_110, %or3A_111 : i1
      %ge3A_113 = arith.constant 0 : i32
      %ge3A_114 = arith.cmpi sge, %scan3A_62, %ge3A_113 : i32
      %not3A_115 = arith.constant true
      %not3A_116 = arith.xori %ge3A_114, %not3A_115 : i1
      %and3A_117 = arith.andi %or3A_112, %not3A_116 : i1
      %ne3A_118 = arith.cmpi ne, %add3A_68, %add3A_78 : i32
      %or3A_119 = arith.constant false
      %or3A_120 = arith.ori %or3A_119, %ne3A_118 : i1
      %or3A_121 = arith.ori %or3A_120, %eq3A_64 : i1
      %convert_element_type3A_122 = arith.extui %or3A_121 : i1 to i32
      %cond3A_123 = arith.constant 0 : i32
      %cond3A_124 = arith.cmpi ne, %convert_element_type3A_122, %cond3A_123 : i32
      scf.if %cond3A_124 {
        "tpu.trace_start"() <{level = 10 : i32, message = "ep_wait_in"}> : () -> ()
        %mul3A_263 = arith.constant 128 : i32
        %mul3A_264 = arith.muli %mul3A_263, %add3A_68 : i32
        %rem3A_265 = arith.constant 2 : i32
        %rem3A_266 = arith.remui %scan3A, %rem3A_265 : i32
        %mul3A_267 = arith.constant 128 : i32
        %mul3A_268 = arith.muli %rem3A_266, %mul3A_267 : i32
        %add3A_269 = arith.constant 0 : i32
        %add3A_270 = arith.addi %mul3A_268, %add3A_269 : i32
        %dma_wait3A_271 = tpu.memref_slice %run_scoped3A[%add3A_270] : memref<256xi32, #tpu.memory_space<vmem>> -> memref<128xi32, #tpu.memory_space<vmem>>
        %dma_wait3A_272 = tpu.memref_slice %arg3[%mul3A_264] : memref<4096xi32, #tpu.memory_space<hbm>> -> memref<128xi32, #tpu.memory_space<hbm>>
        %dma_wait3A_273 = tpu.memref_slice %run_scoped3A_7[%rem3A_266] : memref<2x!tpu.dma_semaphore, #tpu.memory_space<semaphore_mem>> -> memref<1x!tpu.dma_semaphore, #tpu.memory_space<semaphore_mem>>
        %dma_wait3A_274 = tpu.memref_squeeze %dma_wait3A_273 : memref<1x!tpu.dma_semaphore, #tpu.memory_space<semaphore_mem>> -> memref<!tpu.dma_semaphore, #tpu.memory_space<semaphore_mem>>
        %dma_wait3A_275 = tpu.memref_slice %run_scoped3A[%add3A_270] : memref<256xi32, #tpu.memory_space<vmem>> -> memref<128xi32, #tpu.memory_space<vmem>>
        %dma_wait3A_276 = tpu.memref_slice %arg3[%mul3A_264] : memref<4096xi32, #tpu.memory_space<hbm>> -> memref<128xi32, #tpu.memory_space<hbm>>
        tpu.wait_dma2 semaphore(%dma_wait3A_274 : memref<!tpu.dma_semaphore, #tpu.memory_space<semaphore_mem>>) src(%dma_wait3A_276 : memref<128xi32, #tpu.memory_space<hbm>>) dst(%dma_wait3A_275 : memref<128xi32, #tpu.memory_space<vmem>>)
        "tpu.trace_stop"() : () -> ()
      } else {
      }
      %ne3A_125 = arith.cmpi ne, %add3A_68, %add3A_78 : i32
      %or3A_126 = arith.constant false
      %or3A_127 = arith.ori %or3A_126, %ne3A_125 : i1
      %or3A_128 = arith.constant false
      %or3A_129 = arith.ori %or3A_127, %or3A_128 : i1
      %or3A_130 = arith.ori %or3A_129, %eq3A_64 : i1
      %convert_element_type3A_131 = arith.extui %or3A_130 : i1 to i32
      %cond3A_132 = arith.constant 0 : i32
      %cond3A_133 = arith.cmpi ne, %convert_element_type3A_131, %cond3A_132 : i32
      scf.if %cond3A_133 {
      } else {
      }
      %rem3A_134 = arith.constant 2 : i32
      %rem3A_135 = arith.remui %scan3A, %rem3A_134 : i32
      %mul3A_136 = arith.constant 128 : i32
      %mul3A_137 = arith.muli %rem3A_135, %mul3A_136 : i32
      %rem3A_138 = arith.constant 2 : i32
      %rem3A_139 = arith.remui %scan3A_59, %rem3A_138 : i32
      "tpu.trace_start"() <{level = 10 : i32, message = "ep_run_kernel"}> : () -> ()
      "tpu.region"() ({
        %run_scoped3A_263 = tpu.sem_alloc : memref<!tpu.dma_semaphore, #tpu.memory_space<semaphore_mem>>
        %dma_start3A_264 = arith.constant 0 : i32
        %dma_start3A_265 = arith.constant 0 : i32
        %dma_start3A_266 = tpu.memref_slice %run_scoped3A_8[%rem3A_139, %dma_start3A_264, %dma_start3A_265] : memref<2x128x128xf32, #tpu.memory_space<vmem>> -> memref<1x128x128xf32, #tpu.memory_space<vmem>>
        %dma_start3A_267 = tpu.memref_squeeze %dma_start3A_266 : memref<1x128x128xf32, #tpu.memory_space<vmem>> -> memref<128x128xf32, #tpu.memory_space<vmem>>
        %dma_start3A_268 = tpu.memref_slice %run_scoped3A[%mul3A_137] : memref<256xi32, #tpu.memory_space<vmem>> -> memref<128xi32, #tpu.memory_space<vmem>>
        %dma_start3A_269 = arith.constant 0 : i32
        %dma_start3A_270 = arith.constant 0 : i32
        %dma_start3A_271 = tpu.memref_slice %arg2[%dma_start3A_269, %dma_start3A_270] : memref<8128x128xf32, #tpu.memory_space<hbm>> -> memref<8128x128xf32, #tpu.memory_space<hbm>>
        tpu.enqueue_indirect_dma source(%dma_start3A_271 : memref<8128x128xf32, #tpu.memory_space<hbm>>) target(%dma_start3A_267 : memref<128x128xf32, #tpu.memory_space<vmem>>) offsets(%dma_start3A_268 : memref<128xi32, #tpu.memory_space<vmem>>) semaphore(%run_scoped3A_263 : memref<!tpu.dma_semaphore, #tpu.memory_space<semaphore_mem>>)
        %dma_wait3A_272 = arith.constant 0 : i32
        %dma_wait3A_273 = arith.constant 0 : i32
        %dma_wait3A_274 = tpu.memref_slice %run_scoped3A_8[%rem3A_139, %dma_wait3A_272, %dma_wait3A_273] : memref<2x128x128xf32, #tpu.memory_space<vmem>> -> memref<1x128x128xf32, #tpu.memory_space<vmem>>
        %dma_wait3A_275 = tpu.memref_squeeze %dma_wait3A_274 : memref<1x128x128xf32, #tpu.memory_space<vmem>> -> memref<128x128xf32, #tpu.memory_space<vmem>>
        %dma_wait3A_276 = tpu.memref_slice %run_scoped3A[%mul3A_137] : memref<256xi32, #tpu.memory_space<vmem>> -> memref<128xi32, #tpu.memory_space<vmem>>
        %dma_wait3A_277 = arith.constant 0 : i32
        %dma_wait3A_278 = arith.constant 0 : i32
        %dma_wait3A_279 = tpu.memref_slice %arg2[%dma_wait3A_277, %dma_wait3A_278] : memref<8128x128xf32, #tpu.memory_space<hbm>> -> memref<8128x128xf32, #tpu.memory_space<hbm>>
        tpu.wait_indirect_dma semaphore(%run_scoped3A_263 : memref<!tpu.dma_semaphore, #tpu.memory_space<semaphore_mem>>) src(%dma_wait3A_279 : memref<8128x128xf32, #tpu.memory_space<hbm>>) dst(%dma_wait3A_275 : memref<128x128xf32, #tpu.memory_space<vmem>>)
        tpu.yield
      }) : () -> ()
      "tpu.trace_stop"() : () -> ()
      %ne3A_140 = arith.cmpi ne, %add3A_68, %add3A_88 : i32
      %or3A_141 = arith.constant false
      %or3A_142 = arith.ori %or3A_141, %ne3A_140 : i1
      %or3A_143 = arith.ori %or3A_142, %eq3A_66 : i1
      %convert_element_type3A_144 = arith.extui %or3A_143 : i1 to i32
      %cond3A_145 = arith.constant 0 : i32
      %cond3A_146 = arith.cmpi ne, %convert_element_type3A_144, %cond3A_145 : i32
      scf.if %cond3A_146 {
      } else {
      }
      %and3A_147 = arith.constant false
      %and3A_148 = arith.andi %or3A_143, %and3A_147 : i1
      %ne3A_149 = arith.cmpi ne, %add3A_68, %add3A_88 : i32
      %or3A_150 = arith.constant false
      %or3A_151 = arith.ori %or3A_150, %ne3A_149 : i1
      %or3A_152 = arith.constant false
      %or3A_153 = arith.ori %or3A_151, %or3A_152 : i1
      %or3A_154 = arith.ori %or3A_153, %eq3A_66 : i1
      %convert_element_type3A_155 = arith.extui %or3A_154 : i1 to i32
      %cond3A_156 = arith.constant 0 : i32
      %cond3A_157 = arith.cmpi ne, %convert_element_type3A_155, %cond3A_156 : i32
      scf.if %cond3A_157 {
        "tpu.trace_start"() <{level = 10 : i32, message = "ep_copy_out"}> : () -> ()
        %rem3A_263 = arith.constant 2 : i32
        %rem3A_264 = arith.remui %scan3A_59, %rem3A_263 : i32
        %mul3A_265 = arith.constant 128 : i32
        %mul3A_266 = arith.muli %mul3A_265, %add3A_68 : i32
        %dma_start3A_267 = arith.constant 0 : i32
        %dma_start3A_268 = arith.constant 0 : i32
        %dma_start3A_269 = tpu.memref_slice %run_scoped3A_8[%rem3A_264, %dma_start3A_267, %dma_start3A_268] : memref<2x128x128xf32, #tpu.memory_space<vmem>> -> memref<1x128x128xf32, #tpu.memory_space<vmem>>
        %dma_start3A_270 = tpu.memref_squeeze %dma_start3A_269 : memref<1x128x128xf32, #tpu.memory_space<vmem>> -> memref<128x128xf32, #tpu.memory_space<vmem>>
        %dma_start3A_271 = arith.constant 0 : i32
        %dma_start3A_272 = tpu.memref_slice %arg4[%mul3A_266, %dma_start3A_271] : memref<4096x128xf32, #tpu.memory_space<hbm>> -> memref<128x128xf32, #tpu.memory_space<hbm>>
        %dma_start3A_273 = tpu.memref_slice %run_scoped3A_9[%rem3A_264] : memref<2x!tpu.dma_semaphore, #tpu.memory_space<semaphore_mem>> -> memref<1x!tpu.dma_semaphore, #tpu.memory_space<semaphore_mem>>
        %dma_start3A_274 = tpu.memref_squeeze %dma_start3A_273 : memref<1x!tpu.dma_semaphore, #tpu.memory_space<semaphore_mem>> -> memref<!tpu.dma_semaphore, #tpu.memory_space<semaphore_mem>>
        %dma_start3A_275 = arith.constant 0 : i32
        %dma_start3A_276 = tpu.memref_slice %arg4[%mul3A_266, %dma_start3A_275] : memref<4096x128xf32, #tpu.memory_space<hbm>> -> memref<128x128xf32, #tpu.memory_space<hbm>>
        %dma_start3A_277 = arith.constant 0 : i32
        %dma_start3A_278 = arith.constant 0 : i32
        %dma_start3A_279 = tpu.memref_slice %run_scoped3A_8[%rem3A_264, %dma_start3A_277, %dma_start3A_278] : memref<2x128x128xf32, #tpu.memory_space<vmem>> -> memref<1x128x128xf32, #tpu.memory_space<vmem>>
        %dma_start3A_280 = tpu.memref_squeeze %dma_start3A_279 : memref<1x128x128xf32, #tpu.memory_space<vmem>> -> memref<128x128xf32, #tpu.memory_space<vmem>>
        tpu.enqueue_dma source(%dma_start3A_280 : memref<128x128xf32, #tpu.memory_space<vmem>>) target(%dma_start3A_276 : memref<128x128xf32, #tpu.memory_space<hbm>>) target_semaphore(%dma_start3A_274 : memref<!tpu.dma_semaphore, #tpu.memory_space<semaphore_mem>>)
        "tpu.trace_stop"() : () -> ()
      } else {
      }
      %and3A_158 = arith.constant true
      %and3A_159 = arith.andi %or3A_154, %and3A_158 : i1
      %add3A_160 = arith.constant 1 : i32
      %add3A_161 = arith.addi %scan3A_59, %add3A_160 : i32
      %select_n3A_162 = arith.select %and3A_159, %add3A_161, %scan3A_59 : i32
      %ne3A_163 = arith.cmpi ne, %add3A_68, %add3A_78 : i32
      %or3A_164 = arith.constant false
      %or3A_165 = arith.ori %or3A_164, %ne3A_163 : i1
      %not3A_166 = arith.constant true
      %not3A_167 = arith.xori %eq3A_64, %not3A_166 : i1
      %and3A_168 = arith.andi %or3A_165, %not3A_167 : i1
      %convert_element_type3A_169 = arith.extui %and3A_168 : i1 to i32
      %cond3A_170 = arith.constant 0 : i32
      %cond3A_171 = arith.cmpi ne, %convert_element_type3A_169, %cond3A_170 : i32
      scf.if %cond3A_171 {
      } else {
      }
      %and3A_172 = arith.constant false
      %and3A_173 = arith.andi %and3A_168, %and3A_172 : i1
      %ne3A_174 = arith.cmpi ne, %add3A_68, %add3A_78 : i32
      %or3A_175 = arith.constant false
      %or3A_176 = arith.ori %or3A_175, %ne3A_174 : i1
      %or3A_177 = arith.constant false
      %or3A_178 = arith.ori %or3A_176, %or3A_177 : i1
      %not3A_179 = arith.constant true
      %not3A_180 = arith.xori %eq3A_64, %not3A_179 : i1
      %and3A_181 = arith.andi %or3A_178, %not3A_180 : i1
      %convert_element_type3A_182 = arith.extui %and3A_181 : i1 to i32
      %cond3A_183 = arith.constant 0 : i32
      %cond3A_184 = arith.cmpi ne, %convert_element_type3A_182, %cond3A_183 : i32
      scf.if %cond3A_184 {
        "tpu.trace_start"() <{level = 10 : i32, message = "ep_wait_out"}> : () -> ()
        %rem3A_263 = arith.constant 2 : i32
        %rem3A_264 = arith.remui %scan3A_60, %rem3A_263 : i32
        %mul3A_265 = arith.constant 128 : i32
        %mul3A_266 = arith.muli %mul3A_265, %add3A_78 : i32
        %dma_wait3A_267 = arith.constant 0 : i32
        %dma_wait3A_268 = arith.constant 0 : i32
        %dma_wait3A_269 = tpu.memref_slice %run_scoped3A_8[%rem3A_264, %dma_wait3A_267, %dma_wait3A_268] : memref<2x128x128xf32, #tpu.memory_space<vmem>> -> memref<1x128x128xf32, #tpu.memory_space<vmem>>
        %dma_wait3A_270 = tpu.memref_squeeze %dma_wait3A_269 : memref<1x128x128xf32, #tpu.memory_space<vmem>> -> memref<128x128xf32, #tpu.memory_space<vmem>>
        %dma_wait3A_271 = arith.constant 0 : i32
        %dma_wait3A_272 = tpu.memref_slice %arg4[%mul3A_266, %dma_wait3A_271] : memref<4096x128xf32, #tpu.memory_space<hbm>> -> memref<128x128xf32, #tpu.memory_space<hbm>>
        %dma_wait3A_273 = tpu.memref_slice %run_scoped3A_9[%rem3A_264] : memref<2x!tpu.dma_semaphore, #tpu.memory_space<semaphore_mem>> -> memref<1x!tpu.dma_semaphore, #tpu.memory_space<semaphore_mem>>
        %dma_wait3A_274 = tpu.memref_squeeze %dma_wait3A_273 : memref<1x!tpu.dma_semaphore, #tpu.memory_space<semaphore_mem>> -> memref<!tpu.dma_semaphore, #tpu.memory_space<semaphore_mem>>
        %dma_wait3A_275 = arith.constant 0 : i32
        %dma_wait3A_276 = tpu.memref_slice %arg4[%mul3A_266, %dma_wait3A_275] : memref<4096x128xf32, #tpu.memory_space<hbm>> -> memref<128x128xf32, #tpu.memory_space<hbm>>
        %dma_wait3A_277 = arith.constant 0 : i32
        %dma_wait3A_278 = arith.constant 0 : i32
        %dma_wait3A_279 = tpu.memref_slice %run_scoped3A_8[%rem3A_264, %dma_wait3A_277, %dma_wait3A_278] : memref<2x128x128xf32, #tpu.memory_space<vmem>> -> memref<1x128x128xf32, #tpu.memory_space<vmem>>
        %dma_wait3A_280 = tpu.memref_squeeze %dma_wait3A_279 : memref<1x128x128xf32, #tpu.memory_space<vmem>> -> memref<128x128xf32, #tpu.memory_space<vmem>>
        tpu.wait_dma2 semaphore(%dma_wait3A_274 : memref<!tpu.dma_semaphore, #tpu.memory_space<semaphore_mem>>) src(%dma_wait3A_280 : memref<128x128xf32, #tpu.memory_space<vmem>>) dst(%dma_wait3A_276 : memref<128x128xf32, #tpu.memory_space<hbm>>)
        "tpu.trace_stop"() : () -> ()
      } else {
      }
      %and3A_185 = arith.constant true
      %and3A_186 = arith.andi %and3A_181, %and3A_185 : i1
      %add3A_187 = arith.constant 1 : i32
      %add3A_188 = arith.addi %scan3A_60, %add3A_187 : i32
      %select_n3A_189 = arith.select %and3A_186, %add3A_188, %scan3A_60 : i32
      %ne3A_190 = arith.cmpi ne, %add3A_68, %add3A_88 : i32
      %or3A_191 = arith.constant false
      %or3A_192 = arith.ori %or3A_191, %ne3A_190 : i1
      %or3A_193 = arith.ori %or3A_192, %eq3A_66 : i1
      %add3A_194 = arith.constant 1 : i32
      %add3A_195 = arith.addi %scan3A, %add3A_194 : i32
      %select_n3A_196 = arith.select %or3A_193, %add3A_195, %scan3A : i32
      %select_n3A_197 = arith.constant true
      %select_n3A_198 = arith.constant 0 : i32
      %select_n3A_199 = arith.constant 1 : i32
      %select_n3A_200 = arith.select %select_n3A_197, %select_n3A_199, %select_n3A_198 : i32
      %eq3A_201 = arith.constant 1 : i32
      %eq3A_202 = arith.cmpi eq, %select_n3A_200, %eq3A_201 : i32
      %select_n3A_203 = arith.constant 0 : i32
      %select_n3A_204 = arith.select %eq3A_202, %select_n3A_203, %select_n3A_200 : i32
      %scan3A_205 = arith.constant 0 : i32
      %scan3A_206 = arith.constant 1 : i32
      %sub3A = arith.constant 1 : i32
      %sub3A_207 = arith.subi %scan3A_205, %sub3A : i32
      %select_n3A_208 = arith.constant true
      %select_n3A_209 = arith.select %select_n3A_208, %sub3A_207, %scan3A_205 : i32
      %eq3A_210 = arith.constant -1 : i32
      %eq3A_211 = arith.cmpi eq, %select_n3A_209, %eq3A_210 : i32
      %select_n3A_212 = arith.constant 0 : i32
      %select_n3A_213 = arith.select %eq3A_211, %select_n3A_212, %select_n3A_209 : i32
      %add3A_214 = arith.constant 0 : i32
      %add3A_215 = arith.addi %add3A_214, %mul3A_6 : i32
      %select_n3A_216 = arith.constant true
      %select_n3A_217 = arith.constant 0 : i32
      %select_n3A_218 = arith.constant -1 : i32
      %select_n3A_219 = arith.select %select_n3A_216, %select_n3A_218, %select_n3A_217 : i32
      %eq3A_220 = arith.constant -1 : i32
      %eq3A_221 = arith.cmpi eq, %select_n3A_219, %eq3A_220 : i32
      %select_n3A_222 = arith.constant 0 : i32
      %select_n3A_223 = arith.select %eq3A_221, %select_n3A_222, %select_n3A_219 : i32
      %add3A_224 = arith.constant 0 : i32
      %add3A_225 = arith.addi %add3A_224, %mul3A_6 : i32
      %select_n3A_226 = arith.constant true
      %select_n3A_227 = arith.constant 0 : i32
      %select_n3A_228 = arith.constant 1 : i32
      %select_n3A_229 = arith.select %select_n3A_226, %select_n3A_228, %select_n3A_227 : i32
      %eq3A_230 = arith.constant 1 : i32
      %eq3A_231 = arith.cmpi eq, %select_n3A_229, %eq3A_230 : i32
      %select_n3A_232 = arith.constant 0 : i32
      %select_n3A_233 = arith.select %eq3A_231, %select_n3A_232, %select_n3A_229 : i32
      %add3A_234 = arith.constant 0 : i32
      %add3A_235 = arith.addi %add3A_234, %mul3A_6 : i32
      %select_n3A_236 = arith.constant true
      %select_n3A_237 = arith.constant 0 : i32
      %select_n3A_238 = arith.constant 1 : i32
      %select_n3A_239 = arith.select %select_n3A_236, %select_n3A_238, %select_n3A_237 : i32
      %eq3A_240 = arith.constant 1 : i32
      %eq3A_241 = arith.cmpi eq, %select_n3A_239, %eq3A_240 : i32
      %select_n3A_242 = arith.constant 0 : i32
      %select_n3A_243 = arith.select %eq3A_241, %select_n3A_242, %select_n3A_239 : i32
      %add3A_244 = arith.constant 0 : i32
      %add3A_245 = arith.addi %add3A_244, %mul3A_6 : i32
      "tpu.trace_start"() <{level = 10 : i32, message = "ep_finalize"}> : () -> ()
      %rem3A_246 = arith.constant 2 : i32
      %rem3A_247 = arith.remui %select_n3A_189, %rem3A_246 : i32
      %mul3A_248 = arith.constant 128 : i32
      %mul3A_249 = arith.muli %mul3A_248, %add3A_215 : i32
      %dma_wait3A = arith.constant 0 : i32
      %dma_wait3A_250 = arith.constant 0 : i32
      %dma_wait3A_251 = tpu.memref_slice %run_scoped3A_8[%rem3A_247, %dma_wait3A, %dma_wait3A_250] : memref<2x128x128xf32, #tpu.memory_space<vmem>> -> memref<1x128x128xf32, #tpu.memory_space<vmem>>
      %dma_wait3A_252 = tpu.memref_squeeze %dma_wait3A_251 : memref<1x128x128xf32, #tpu.memory_space<vmem>> -> memref<128x128xf32, #tpu.memory_space<vmem>>
      %dma_wait3A_253 = arith.constant 0 : i32
      %dma_wait3A_254 = tpu.memref_slice %arg4[%mul3A_249, %dma_wait3A_253] : memref<4096x128xf32, #tpu.memory_space<hbm>> -> memref<128x128xf32, #tpu.memory_space<hbm>>
      %dma_wait3A_255 = tpu.memref_slice %run_scoped3A_9[%rem3A_247] : memref<2x!tpu.dma_semaphore, #tpu.memory_space<semaphore_mem>> -> memref<1x!tpu.dma_semaphore, #tpu.memory_space<semaphore_mem>>
      %dma_wait3A_256 = tpu.memref_squeeze %dma_wait3A_255 : memref<1x!tpu.dma_semaphore, #tpu.memory_space<semaphore_mem>> -> memref<!tpu.dma_semaphore, #tpu.memory_space<semaphore_mem>>
      %dma_wait3A_257 = arith.constant 0 : i32
      %dma_wait3A_258 = tpu.memref_slice %arg4[%mul3A_249, %dma_wait3A_257] : memref<4096x128xf32, #tpu.memory_space<hbm>> -> memref<128x128xf32, #tpu.memory_space<hbm>>
      %dma_wait3A_259 = arith.constant 0 : i32
      %dma_wait3A_260 = arith.constant 0 : i32
      %dma_wait3A_261 = tpu.memref_slice %run_scoped3A_8[%rem3A_247, %dma_wait3A_259, %dma_wait3A_260] : memref<2x128x128xf32, #tpu.memory_space<vmem>> -> memref<1x128x128xf32, #tpu.memory_space<vmem>>
      %dma_wait3A_262 = tpu.memref_squeeze %dma_wait3A_261 : memref<1x128x128xf32, #tpu.memory_space<vmem>> -> memref<128x128xf32, #tpu.memory_space<vmem>>
      tpu.wait_dma2 semaphore(%dma_wait3A_256 : memref<!tpu.dma_semaphore, #tpu.memory_space<semaphore_mem>>) src(%dma_wait3A_262 : memref<128x128xf32, #tpu.memory_space<vmem>>) dst(%dma_wait3A_258 : memref<128x128xf32, #tpu.memory_space<hbm>>)
      "tpu.trace_stop"() : () -> ()
      tpu.yield
    }) : () -> ()
    return
  }
}

module attributes {stable_mosaic.version = 14 : i64} {
  func.func @_route_kernel(%arg0: i32, %arg1: memref<512x2048xf32, #tpu.memory_space<vmem>>, %arg2: memref<2048x128xf32, #tpu.memory_space<vmem>>, %arg3: memref<128x64xf32, #tpu.memory_space<vmem>>, %arg4: memref<1x64xf32, #tpu.memory_space<vmem>>, %arg5: memref<512x128xf32, #tpu.memory_space<vmem>>, %arg6: memref<2048x1xf32, #tpu.memory_space<vmem>>, %arg7: memref<2048x1xf32, #tpu.memory_space<vmem>>, %arg8: memref<1x64xf32, #tpu.memory_space<vmem>>, %arg9: memref<1x64xf32, #tpu.memory_space<vmem>>, %arg10: memref<4096x1xi32, #tpu.memory_space<vmem>>, %arg11: memref<127x1xi32, #tpu.memory_space<vmem>>, %arg12: memref<1x1xi32, #tpu.memory_space<vmem>>, %arg13: memref<1x1xf32, #tpu.memory_space<vmem>>, %arg14: memref<2048x1xi32, #tpu.memory_space<vmem>>, %arg15: memref<2048x1xi32, #tpu.memory_space<vmem>>, %arg16: memref<2048x1xf32, #tpu.memory_space<vmem>>, %arg17: memref<2048x1xf32, #tpu.memory_space<vmem>>, %arg18: memref<256x256xbf16, #tpu.memory_space<vmem>>) attributes {dimension_semantics = [#tpu.dimension_semantics<arbitrary>], iteration_bounds = array<i64: 4>, scalar_prefetch = 0 : i64, scratch_operands = 5 : i64, tpu.core_type = #tpu.core_type<tc>, window_params = [{transform_indices = @transform_0, window_bounds = array<i64: 512, 2048>}, {pipeline_mode = #tpu.pipeline_mode<synchronous>, transform_indices = @transform_1, window_bounds = array<i64: 2048, 128>}, {pipeline_mode = #tpu.pipeline_mode<synchronous>, transform_indices = @transform_2, window_bounds = array<i64: 128, 64>}, {pipeline_mode = #tpu.pipeline_mode<synchronous>, transform_indices = @transform_3, window_bounds = array<i64: 1, 64>}, {transform_indices = @transform_4, window_bounds = array<i64: 512, 128>}, {pipeline_mode = #tpu.pipeline_mode<synchronous>, transform_indices = @transform_5, window_bounds = array<i64: 2048, 1>}, {pipeline_mode = #tpu.pipeline_mode<synchronous>, transform_indices = @transform_6, window_bounds = array<i64: 2048, 1>}, {pipeline_mode = #tpu.pipeline_mode<synchronous>, transform_indices = @transform_7, window_bounds = array<i64: 1, 64>}, {pipeline_mode = #tpu.pipeline_mode<synchronous>, transform_indices = @transform_8, window_bounds = array<i64: 1, 64>}, {pipeline_mode = #tpu.pipeline_mode<synchronous>, transform_indices = @transform_9, window_bounds = array<i64: 4096, 1>}, {pipeline_mode = #tpu.pipeline_mode<synchronous>, transform_indices = @transform_10, window_bounds = array<i64: 127, 1>}, {pipeline_mode = #tpu.pipeline_mode<synchronous>, transform_indices = @transform_11, window_bounds = array<i64: 1, 1>}, {pipeline_mode = #tpu.pipeline_mode<synchronous>, transform_indices = @transform_12, window_bounds = array<i64: 1, 1>}]} {
    %eq3A = arith.constant 0 : i32
    %eq3A_0 = arith.cmpi eq, %arg0, %eq3A : i32
    %convert_element_type3A = arith.extui %eq3A_0 : i1 to i32
    %cond3A = arith.constant 0 : i32
    %cond3A_1 = arith.cmpi ne, %convert_element_type3A, %cond3A : i32
    scf.if %cond3A_1 {
      %broadcast_in_dim3A_164 = arith.constant 0.000000e+00 : f32
      %broadcast_in_dim3A_165 = vector.broadcast %broadcast_in_dim3A_164 : f32 to vector<1x64xf32>
      %swap3A_166 = arith.constant 0 : index
      %swap3A_167 = arith.constant 0 : index
      %swap3A_168 = vector.load %arg8[%swap3A_166, %swap3A_167] : memref<1x64xf32, #tpu.memory_space<vmem>>, vector<1x64xf32>
      tpu.vector_store %arg8[%swap3A_166, %swap3A_167], %broadcast_in_dim3A_165 {strides = array<i32>} : memref<1x64xf32, #tpu.memory_space<vmem>>, vector<1x64xf32>,
      %broadcast_in_dim3A_169 = arith.constant 0.000000e+00 : f32
      %broadcast_in_dim3A_170 = vector.broadcast %broadcast_in_dim3A_169 : f32 to vector<1x64xf32>
      %swap3A_171 = arith.constant 0 : index
      %swap3A_172 = arith.constant 0 : index
      %swap3A_173 = vector.load %arg9[%swap3A_171, %swap3A_172] : memref<1x64xf32, #tpu.memory_space<vmem>>, vector<1x64xf32>
      tpu.vector_store %arg9[%swap3A_171, %swap3A_172], %broadcast_in_dim3A_170 {strides = array<i32>} : memref<1x64xf32, #tpu.memory_space<vmem>>, vector<1x64xf32>,
      %iota3A_174 = tpu.iota {dimensions = array<i32: 0>} : vector<256x256xi32>
      %iota3A_175 = tpu.iota {dimensions = array<i32: 1>} : vector<256x256xi32>
      %lt3A = arith.cmpi slt, %iota3A_175, %iota3A_174 : vector<256x256xi32>
      %convert_element_type3A_176 = arith.extui %lt3A : vector<256x256xi1> to vector<256x256xi32>
      %convert_element_type3A_177 = arith.sitofp %convert_element_type3A_176 : vector<256x256xi32> to vector<256x256xf32>
      %convert_element_type3A_178 = arith.truncf %convert_element_type3A_177 : vector<256x256xf32> to vector<256x256xbf16>
      %swap3A_179 = arith.constant 0 : index
      %swap3A_180 = arith.constant 0 : index
      %swap3A_181 = vector.load %arg18[%swap3A_179, %swap3A_180] : memref<256x256xbf16, #tpu.memory_space<vmem>>, vector<256x256xbf16>
      tpu.vector_store %arg18[%swap3A_179, %swap3A_180], %convert_element_type3A_178 {strides = array<i32>} : memref<256x256xbf16, #tpu.memory_space<vmem>>, vector<256x256xbf16>,
    } else {
    }
    %get3A = arith.constant 0 : index
    %get3A_2 = arith.constant 0 : index
    %get3A_3 = vector.load %arg1[%get3A, %get3A_2] : memref<512x2048xf32, #tpu.memory_space<vmem>>, vector<512x2048xf32>
    %convert_element_type3A_4 = arith.truncf %get3A_3 : vector<512x2048xf32> to vector<512x2048xbf16>
    %get3A_5 = arith.constant 0 : index
    %get3A_6 = arith.constant 0 : index
    %get3A_7 = vector.load %arg2[%get3A_5, %get3A_6] : memref<2048x128xf32, #tpu.memory_space<vmem>>, vector<2048x128xf32>
    %convert_element_type3A_8 = arith.truncf %get3A_7 : vector<2048x128xf32> to vector<2048x128xbf16>
    %dot_general3A = arith.constant dense<0.000000e+00> : vector<512x128xf32>
    %dot_general3A_9 = tpu.matmul %convert_element_type3A_4, %convert_element_type3A_8, %dot_general3A {dimension_numbers = #tpu.dot_dimension_numbers<[1], [0], [0], [1], [0, 0, 1, 1], [], []>, transpose_lhs_hint = false} : vector<512x2048xbf16>, vector<2048x128xbf16>, vector<512x128xf32> -> vector<512x128xf32>
    %swap3A = arith.constant 0 : index
    %swap3A_10 = arith.constant 0 : index
    %swap3A_11 = vector.load %arg5[%swap3A, %swap3A_10] : memref<512x128xf32, #tpu.memory_space<vmem>>, vector<512x128xf32>
    tpu.vector_store %arg5[%swap3A, %swap3A_10], %dot_general3A_9 {strides = array<i32>} : memref<512x128xf32, #tpu.memory_space<vmem>>, vector<512x128xf32>,
    %convert_element_type3A_12 = arith.truncf %dot_general3A_9 : vector<512x128xf32> to vector<512x128xbf16>
    %get3A_13 = arith.constant 0 : index
    %get3A_14 = arith.constant 0 : index
    %get3A_15 = vector.load %arg3[%get3A_13, %get3A_14] : memref<128x64xf32, #tpu.memory_space<vmem>>, vector<128x64xf32>
    %convert_element_type3A_16 = arith.truncf %get3A_15 : vector<128x64xf32> to vector<128x64xbf16>
    %dot_general3A_17 = arith.constant dense<0.000000e+00> : vector<512x64xf32>
    %dot_general3A_18 = tpu.matmul %convert_element_type3A_12, %convert_element_type3A_16, %dot_general3A_17 {dimension_numbers = #tpu.dot_dimension_numbers<[1], [0], [0], [1], [0, 0, 1, 1], [], []>, transpose_lhs_hint = false} : vector<512x128xbf16>, vector<128x64xbf16>, vector<512x64xf32> -> vector<512x64xf32>
    %get3A_19 = arith.constant 0 : index
    %get3A_20 = arith.constant 0 : index
    %get3A_21 = vector.load %arg4[%get3A_19, %get3A_20] : memref<1x64xf32, #tpu.memory_space<vmem>>, vector<1x64xf32>
    %add3A = vector.broadcast %get3A_21 : vector<1x64xf32> to vector<512x64xf32>
    %add3A_22 = arith.addf %dot_general3A_18, %add3A : vector<512x64xf32>
    %reduce_max3A = arith.constant dense<0xFF800000> : vector<512xf32>
    %reduce_max3A_23 = vector.multi_reduction <maximumf>, %add3A_22, %reduce_max3A [1] : vector<512x64xf32> to vector<512xf32>
    %broadcast_in_dim3A = vector.shape_cast %reduce_max3A_23 : vector<512xf32> to vector<512x1xf32>
    %sub3A = vector.broadcast %broadcast_in_dim3A : vector<512x1xf32> to vector<512x64xf32>
    %sub3A_24 = arith.subf %add3A_22, %sub3A : vector<512x64xf32>
    %exp3A = math.exp %sub3A_24 : vector<512x64xf32>
    %reduce_sum3A = arith.constant dense<0.000000e+00> : vector<512xf32>
    %reduce_sum3A_25 = vector.multi_reduction <add>, %exp3A, %reduce_sum3A [1] : vector<512x64xf32> to vector<512xf32>
    %broadcast_in_dim3A_26 = vector.shape_cast %reduce_sum3A_25 : vector<512xf32> to vector<512x1xf32>
    %div3A = vector.broadcast %broadcast_in_dim3A_26 : vector<512x1xf32> to vector<512x64xf32>
    %div3A_27 = arith.divf %exp3A, %div3A : vector<512x64xf32>
    %argmax3A = tpu.reduce_index %div3A_27 {axis = 1 : i32, kind = #tpu.reduction_kind<arg_max>} : vector<512x64xf32> -> vector<512xi32>
    %reduce_max3A_28 = arith.constant dense<0xFF800000> : vector<512xf32>
    %reduce_max3A_29 = vector.multi_reduction <maximumf>, %div3A_27, %reduce_max3A_28 [1] : vector<512x64xf32> to vector<512xf32>
    %iota3A = tpu.iota {dimensions = array<i32: 1>} : vector<512x64xi32>
    %broadcast_in_dim3A_30 = vector.shape_cast %argmax3A : vector<512xi32> to vector<512x1xi32>
    %eq3A_31 = vector.broadcast %broadcast_in_dim3A_30 : vector<512x1xi32> to vector<512x64xi32>
    %eq3A_32 = arith.cmpi eq, %iota3A, %eq3A_31 : vector<512x64xi32>
    %jit3A = arith.constant 0xFF800000 : f32
    %broadcast_in_dim3A_33 = vector.broadcast %jit3A : f32 to vector<512x64xf32>
    %select_n3A = arith.select %eq3A_32, %broadcast_in_dim3A_33, %div3A_27 : vector<512x64xi1>, vector<512x64xf32>
    %argmax3A_34 = tpu.reduce_index %select_n3A {axis = 1 : i32, kind = #tpu.reduction_kind<arg_max>} : vector<512x64xf32> -> vector<512xi32>
    %reduce_max3A_35 = arith.constant dense<0xFF800000> : vector<512xf32>
    %reduce_max3A_36 = vector.multi_reduction <maximumf>, %select_n3A, %reduce_max3A_35 [1] : vector<512x64xf32> to vector<512xf32>
    %add3A_37 = arith.addf %reduce_max3A_29, %reduce_max3A_36 : vector<512xf32>
    %mul3A = arith.constant 512 : i32
    %mul3A_38 = arith.muli %arg0, %mul3A : i32
    %broadcast_in_dim3A_39 = vector.shape_cast %argmax3A : vector<512xi32> to vector<512x1xi32>
    %swap3A_40 = arith.index_cast %mul3A_38 : i32 to index
    %swap3A_41 = arith.constant 0 : index
    %swap3A_42 = vector.load %arg14[%swap3A_40, %swap3A_41] : memref<2048x1xi32, #tpu.memory_space<vmem>>, vector<512x1xi32>
    tpu.vector_store %arg14[%swap3A_40, %swap3A_41], %broadcast_in_dim3A_39 {strides = array<i32>} : memref<2048x1xi32, #tpu.memory_space<vmem>>, vector<512x1xi32>,
    %broadcast_in_dim3A_43 = vector.shape_cast %argmax3A_34 : vector<512xi32> to vector<512x1xi32>
    %swap3A_44 = arith.index_cast %mul3A_38 : i32 to index
    %swap3A_45 = arith.constant 0 : index
    %swap3A_46 = vector.load %arg15[%swap3A_44, %swap3A_45] : memref<2048x1xi32, #tpu.memory_space<vmem>>, vector<512x1xi32>
    tpu.vector_store %arg15[%swap3A_44, %swap3A_45], %broadcast_in_dim3A_43 {strides = array<i32>} : memref<2048x1xi32, #tpu.memory_space<vmem>>, vector<512x1xi32>,
    %div3A_47 = arith.divf %reduce_max3A_29, %add3A_37 : vector<512xf32>
    %broadcast_in_dim3A_48 = vector.shape_cast %div3A_47 : vector<512xf32> to vector<512x1xf32>
    %swap3A_49 = arith.index_cast %mul3A_38 : i32 to index
    %swap3A_50 = arith.constant 0 : index
    %swap3A_51 = vector.load %arg6[%swap3A_49, %swap3A_50] : memref<2048x1xf32, #tpu.memory_space<vmem>>, vector<512x1xf32>
    tpu.vector_store %arg6[%swap3A_49, %swap3A_50], %broadcast_in_dim3A_48 {strides = array<i32>} : memref<2048x1xf32, #tpu.memory_space<vmem>>, vector<512x1xf32>,
    %div3A_52 = arith.divf %reduce_max3A_36, %add3A_37 : vector<512xf32>
    %broadcast_in_dim3A_53 = vector.shape_cast %div3A_52 : vector<512xf32> to vector<512x1xf32>
    %swap3A_54 = arith.index_cast %mul3A_38 : i32 to index
    %swap3A_55 = arith.constant 0 : index
    %swap3A_56 = vector.load %arg7[%swap3A_54, %swap3A_55] : memref<2048x1xf32, #tpu.memory_space<vmem>>, vector<512x1xf32>
    tpu.vector_store %arg7[%swap3A_54, %swap3A_55], %broadcast_in_dim3A_53 {strides = array<i32>} : memref<2048x1xf32, #tpu.memory_space<vmem>>, vector<512x1xf32>,
    %get3A_57 = arith.constant 0 : index
    %get3A_58 = arith.constant 0 : index
    %get3A_59 = vector.load %arg8[%get3A_57, %get3A_58] : memref<1x64xf32, #tpu.memory_space<vmem>>, vector<1x64xf32>
    %reduce_sum3A_60 = arith.constant dense<0.000000e+00> : vector<64xf32>
    %reduce_sum3A_61 = vector.multi_reduction <add>, %div3A_27, %reduce_sum3A_60 [0] : vector<512x64xf32> to vector<64xf32>
    %broadcast_in_dim3A_62 = vector.shape_cast %reduce_sum3A_61 : vector<64xf32> to vector<1x64xf32>
    %add3A_63 = arith.addf %get3A_59, %broadcast_in_dim3A_62 : vector<1x64xf32>
    %swap3A_64 = arith.constant 0 : index
    %swap3A_65 = arith.constant 0 : index
    %swap3A_66 = vector.load %arg8[%swap3A_64, %swap3A_65] : memref<1x64xf32, #tpu.memory_space<vmem>>, vector<1x64xf32>
    tpu.vector_store %arg8[%swap3A_64, %swap3A_65], %add3A_63 {strides = array<i32>} : memref<1x64xf32, #tpu.memory_space<vmem>>, vector<1x64xf32>,
    %broadcast_in_dim3A_67 = vector.shape_cast %argmax3A : vector<512xi32> to vector<512x1xi32>
    %eq3A_68 = vector.broadcast %broadcast_in_dim3A_67 : vector<512x1xi32> to vector<512x64xi32>
    %eq3A_69 = arith.cmpi eq, %iota3A, %eq3A_68 : vector<512x64xi32>
    %convert_element_type3A_70 = arith.extui %eq3A_69 : vector<512x64xi1> to vector<512x64xi32>
    %convert_element_type3A_71 = arith.sitofp %convert_element_type3A_70 : vector<512x64xi32> to vector<512x64xf32>
    %broadcast_in_dim3A_72 = vector.shape_cast %argmax3A_34 : vector<512xi32> to vector<512x1xi32>
    %eq3A_73 = vector.broadcast %broadcast_in_dim3A_72 : vector<512x1xi32> to vector<512x64xi32>
    %eq3A_74 = arith.cmpi eq, %iota3A, %eq3A_73 : vector<512x64xi32>
    %convert_element_type3A_75 = arith.extui %eq3A_74 : vector<512x64xi1> to vector<512x64xi32>
    %convert_element_type3A_76 = arith.sitofp %convert_element_type3A_75 : vector<512x64xi32> to vector<512x64xf32>
    %concatenate3A = tpu.concatenate %convert_element_type3A_71, %convert_element_type3A_76 in 0 : vector<512x64xf32>, vector<512x64xf32> -> vector<1024x64xf32>
    %get3A_77 = arith.constant 0 : index
    %get3A_78 = arith.constant 0 : index
    %get3A_79 = vector.load %arg9[%get3A_77, %get3A_78] : memref<1x64xf32, #tpu.memory_space<vmem>>, vector<1x64xf32>
    %slice3A = vector.extract_strided_slice %concatenate3A {offsets = [0, 0], sizes = [256, 64], strides = [1, 1]} : vector<1024x64xf32> to vector<256x64xf32>
    %get3A_80 = arith.constant 0 : index
    %get3A_81 = arith.constant 0 : index
    %get3A_82 = vector.load %arg18[%get3A_80, %get3A_81] : memref<256x256xbf16, #tpu.memory_space<vmem>>, vector<256x256xbf16>
    %convert_element_type3A_83 = arith.truncf %slice3A : vector<256x64xf32> to vector<256x64xbf16>
    %dot_general3A_84 = arith.constant dense<0.000000e+00> : vector<256x64xf32>
    %dot_general3A_85 = tpu.matmul %get3A_82, %convert_element_type3A_83, %dot_general3A_84 {dimension_numbers = #tpu.dot_dimension_numbers<[1], [0], [0], [1], [0, 0, 1, 1], [], []>, transpose_lhs_hint = false} : vector<256x256xbf16>, vector<256x64xbf16>, vector<256x64xf32> -> vector<256x64xf32>
    %add3A_86 = vector.broadcast %get3A_79 : vector<1x64xf32> to vector<256x64xf32>
    %add3A_87 = arith.addf %dot_general3A_85, %add3A_86 : vector<256x64xf32>
    %mul3A_88 = arith.mulf %slice3A, %add3A_87 : vector<256x64xf32>
    %reduce_sum3A_89 = arith.constant dense<0.000000e+00> : vector<256xf32>
    %reduce_sum3A_90 = vector.multi_reduction <add>, %mul3A_88, %reduce_sum3A_89 [1] : vector<256x64xf32> to vector<256xf32>
    %broadcast_in_dim3A_91 = vector.shape_cast %reduce_sum3A_90 : vector<256xf32> to vector<256x1xf32>
    %slice3A_92 = vector.extract_strided_slice %dot_general3A_85 {offsets = [255, 0], sizes = [1, 64], strides = [1, 1]} : vector<256x64xf32> to vector<1x64xf32>
    %add3A_93 = arith.addf %get3A_79, %slice3A_92 : vector<1x64xf32>
    %slice3A_94 = vector.extract_strided_slice %slice3A {offsets = [255, 0], sizes = [1, 64], strides = [1, 1]} : vector<256x64xf32> to vector<1x64xf32>
    %add3A_95 = arith.addf %add3A_93, %slice3A_94 : vector<1x64xf32>
    %slice3A_96 = vector.extract_strided_slice %concatenate3A {offsets = [256, 0], sizes = [256, 64], strides = [1, 1]} : vector<1024x64xf32> to vector<256x64xf32>
    %get3A_97 = arith.constant 0 : index
    %get3A_98 = arith.constant 0 : index
    %get3A_99 = vector.load %arg18[%get3A_97, %get3A_98] : memref<256x256xbf16, #tpu.memory_space<vmem>>, vector<256x256xbf16>
    %convert_element_type3A_100 = arith.truncf %slice3A_96 : vector<256x64xf32> to vector<256x64xbf16>
    %dot_general3A_101 = arith.constant dense<0.000000e+00> : vector<256x64xf32>
    %dot_general3A_102 = tpu.matmul %get3A_99, %convert_element_type3A_100, %dot_general3A_101 {dimension_numbers = #tpu.dot_dimension_numbers<[1], [0], [0], [1], [0, 0, 1, 1], [], []>, transpose_lhs_hint = false} : vector<256x256xbf16>, vector<256x64xbf16>, vector<256x64xf32> -> vector<256x64xf32>
    %add3A_103 = vector.broadcast %add3A_95 : vector<1x64xf32> to vector<256x64xf32>
    %add3A_104 = arith.addf %dot_general3A_102, %add3A_103 : vector<256x64xf32>
    %mul3A_105 = arith.mulf %slice3A_96, %add3A_104 : vector<256x64xf32>
    %reduce_sum3A_106 = arith.constant dense<0.000000e+00> : vector<256xf32>
    %reduce_sum3A_107 = vector.multi_reduction <add>, %mul3A_105, %reduce_sum3A_106 [1] : vector<256x64xf32> to vector<256xf32>
    %broadcast_in_dim3A_108 = vector.shape_cast %reduce_sum3A_107 : vector<256xf32> to vector<256x1xf32>
    %slice3A_109 = vector.extract_strided_slice %dot_general3A_102 {offsets = [255, 0], sizes = [1, 64], strides = [1, 1]} : vector<256x64xf32> to vector<1x64xf32>
    %add3A_110 = arith.addf %add3A_95, %slice3A_109 : vector<1x64xf32>
    %slice3A_111 = vector.extract_strided_slice %slice3A_96 {offsets = [255, 0], sizes = [1, 64], strides = [1, 1]} : vector<256x64xf32> to vector<1x64xf32>
    %add3A_112 = arith.addf %add3A_110, %slice3A_111 : vector<1x64xf32>
    %slice3A_113 = vector.extract_strided_slice %concatenate3A {offsets = [512, 0], sizes = [256, 64], strides = [1, 1]} : vector<1024x64xf32> to vector<256x64xf32>
    %get3A_114 = arith.constant 0 : index
    %get3A_115 = arith.constant 0 : index
    %get3A_116 = vector.load %arg18[%get3A_114, %get3A_115] : memref<256x256xbf16, #tpu.memory_space<vmem>>, vector<256x256xbf16>
    %convert_element_type3A_117 = arith.truncf %slice3A_113 : vector<256x64xf32> to vector<256x64xbf16>
    %dot_general3A_118 = arith.constant dense<0.000000e+00> : vector<256x64xf32>
    %dot_general3A_119 = tpu.matmul %get3A_116, %convert_element_type3A_117, %dot_general3A_118 {dimension_numbers = #tpu.dot_dimension_numbers<[1], [0], [0], [1], [0, 0, 1, 1], [], []>, transpose_lhs_hint = false} : vector<256x256xbf16>, vector<256x64xbf16>, vector<256x64xf32> -> vector<256x64xf32>
    %add3A_120 = vector.broadcast %add3A_112 : vector<1x64xf32> to vector<256x64xf32>
    %add3A_121 = arith.addf %dot_general3A_119, %add3A_120 : vector<256x64xf32>
    %mul3A_122 = arith.mulf %slice3A_113, %add3A_121 : vector<256x64xf32>
    %reduce_sum3A_123 = arith.constant dense<0.000000e+00> : vector<256xf32>
    %reduce_sum3A_124 = vector.multi_reduction <add>, %mul3A_122, %reduce_sum3A_123 [1] : vector<256x64xf32> to vector<256xf32>
    %broadcast_in_dim3A_125 = vector.shape_cast %reduce_sum3A_124 : vector<256xf32> to vector<256x1xf32>
    %slice3A_126 = vector.extract_strided_slice %dot_general3A_119 {offsets = [255, 0], sizes = [1, 64], strides = [1, 1]} : vector<256x64xf32> to vector<1x64xf32>
    %add3A_127 = arith.addf %add3A_112, %slice3A_126 : vector<1x64xf32>
    %slice3A_128 = vector.extract_strided_slice %slice3A_113 {offsets = [255, 0], sizes = [1, 64], strides = [1, 1]} : vector<256x64xf32> to vector<1x64xf32>
    %add3A_129 = arith.addf %add3A_127, %slice3A_128 : vector<1x64xf32>
    %slice3A_130 = vector.extract_strided_slice %concatenate3A {offsets = [768, 0], sizes = [256, 64], strides = [1, 1]} : vector<1024x64xf32> to vector<256x64xf32>
    %get3A_131 = arith.constant 0 : index
    %get3A_132 = arith.constant 0 : index
    %get3A_133 = vector.load %arg18[%get3A_131, %get3A_132] : memref<256x256xbf16, #tpu.memory_space<vmem>>, vector<256x256xbf16>
    %convert_element_type3A_134 = arith.truncf %slice3A_130 : vector<256x64xf32> to vector<256x64xbf16>
    %dot_general3A_135 = arith.constant dense<0.000000e+00> : vector<256x64xf32>
    %dot_general3A_136 = tpu.matmul %get3A_133, %convert_element_type3A_134, %dot_general3A_135 {dimension_numbers = #tpu.dot_dimension_numbers<[1], [0], [0], [1], [0, 0, 1, 1], [], []>, transpose_lhs_hint = false} : vector<256x256xbf16>, vector<256x64xbf16>, vector<256x64xf32> -> vector<256x64xf32>
    %add3A_137 = vector.broadcast %add3A_129 : vector<1x64xf32> to vector<256x64xf32>
    %add3A_138 = arith.addf %dot_general3A_136, %add3A_137 : vector<256x64xf32>
    %mul3A_139 = arith.mulf %slice3A_130, %add3A_138 : vector<256x64xf32>
    %reduce_sum3A_140 = arith.constant dense<0.000000e+00> : vector<256xf32>
    %reduce_sum3A_141 = vector.multi_reduction <add>, %mul3A_139, %reduce_sum3A_140 [1] : vector<256x64xf32> to vector<256xf32>
    %broadcast_in_dim3A_142 = vector.shape_cast %reduce_sum3A_141 : vector<256xf32> to vector<256x1xf32>
    %slice3A_143 = vector.extract_strided_slice %dot_general3A_136 {offsets = [255, 0], sizes = [1, 64], strides = [1, 1]} : vector<256x64xf32> to vector<1x64xf32>
    %add3A_144 = arith.addf %add3A_129, %slice3A_143 : vector<1x64xf32>
    %slice3A_145 = vector.extract_strided_slice %slice3A_130 {offsets = [255, 0], sizes = [1, 64], strides = [1, 1]} : vector<256x64xf32> to vector<1x64xf32>
    %add3A_146 = arith.addf %add3A_144, %slice3A_145 : vector<1x64xf32>
    %concatenate3A_147 = tpu.concatenate %broadcast_in_dim3A_91, %broadcast_in_dim3A_108, %broadcast_in_dim3A_125, %broadcast_in_dim3A_142 in 0 : vector<256x1xf32>, vector<256x1xf32>, vector<256x1xf32>, vector<256x1xf32> -> vector<1024x1xf32>
    %slice3A_148 = vector.extract_strided_slice %concatenate3A_147 {offsets = [0, 0], sizes = [512, 1], strides = [1, 1]} : vector<1024x1xf32> to vector<512x1xf32>
    %swap3A_149 = arith.index_cast %mul3A_38 : i32 to index
    %swap3A_150 = arith.constant 0 : index
    %swap3A_151 = vector.load %arg16[%swap3A_149, %swap3A_150] : memref<2048x1xf32, #tpu.memory_space<vmem>>, vector<512x1xf32>
    tpu.vector_store %arg16[%swap3A_149, %swap3A_150], %slice3A_148 {strides = array<i32>} : memref<2048x1xf32, #tpu.memory_space<vmem>>, vector<512x1xf32>,
    %slice3A_152 = vector.extract_strided_slice %concatenate3A_147 {offsets = [512, 0], sizes = [512, 1], strides = [1, 1]} : vector<1024x1xf32> to vector<512x1xf32>
    %swap3A_153 = arith.index_cast %mul3A_38 : i32 to index
    %swap3A_154 = arith.constant 0 : index
    %swap3A_155 = vector.load %arg17[%swap3A_153, %swap3A_154] : memref<2048x1xf32, #tpu.memory_space<vmem>>, vector<512x1xf32>
    tpu.vector_store %arg17[%swap3A_153, %swap3A_154], %slice3A_152 {strides = array<i32>} : memref<2048x1xf32, #tpu.memory_space<vmem>>, vector<512x1xf32>,
    %swap3A_156 = arith.constant 0 : index
    %swap3A_157 = arith.constant 0 : index
    %swap3A_158 = vector.load %arg9[%swap3A_156, %swap3A_157] : memref<1x64xf32, #tpu.memory_space<vmem>>, vector<1x64xf32>
    tpu.vector_store %arg9[%swap3A_156, %swap3A_157], %add3A_146 {strides = array<i32>} : memref<1x64xf32, #tpu.memory_space<vmem>>, vector<1x64xf32>,
    %eq3A_159 = arith.constant 3 : i32
    %eq3A_160 = arith.cmpi eq, %arg0, %eq3A_159 : i32
    %convert_element_type3A_161 = arith.extui %eq3A_160 : i1 to i32
    %cond3A_162 = arith.constant 0 : i32
    %cond3A_163 = arith.cmpi ne, %convert_element_type3A_161, %cond3A_162 : i32
    scf.if %cond3A_163 {
      %get3A_164 = arith.constant 0 : index
      %get3A_165 = arith.constant 0 : index
      %get3A_166 = vector.load %arg9[%get3A_164, %get3A_165] : memref<1x64xf32, #tpu.memory_space<vmem>>, vector<1x64xf32>
      %div3A_167 = arith.constant 6.400000e+01 : f32
      %div3A_168 = vector.broadcast %div3A_167 : f32 to vector<1x64xf32>
      %div3A_169 = arith.divf %get3A_166, %div3A_168 : vector<1x64xf32>
      %ceil3A = math.ceil %div3A_169 : vector<1x64xf32>
      %mul3A_170 = arith.constant 6.400000e+01 : f32
      %mul3A_171 = vector.broadcast %mul3A_170 : f32 to vector<1x64xf32>
      %mul3A_172 = arith.mulf %ceil3A, %mul3A_171 : vector<1x64xf32>
      %iota3A_173 = tpu.iota {dimensions = array<i32: 0>} : vector<64x64xi32>
      %iota3A_174 = tpu.iota {dimensions = array<i32: 1>} : vector<64x64xi32>
      %lt3A = arith.cmpi slt, %iota3A_173, %iota3A_174 : vector<64x64xi32>
      %convert_element_type3A_175 = arith.extui %lt3A : vector<64x64xi1> to vector<64x64xi32>
      %convert_element_type3A_176 = arith.sitofp %convert_element_type3A_175 : vector<64x64xi32> to vector<64x64xf32>
      %convert_element_type3A_177 = arith.truncf %convert_element_type3A_176 : vector<64x64xf32> to vector<64x64xbf16>
      %convert_element_type3A_178 = arith.truncf %mul3A_172 : vector<1x64xf32> to vector<1x64xbf16>
      %dot_general3A_179 = arith.constant dense<0.000000e+00> : vector<1x64xf32>
      %dot_general3A_180 = tpu.matmul %convert_element_type3A_178, %convert_element_type3A_177, %dot_general3A_179 {dimension_numbers = #tpu.dot_dimension_numbers<[1], [0], [0], [1], [0, 0, 1, 1], [], []>, transpose_lhs_hint = false} : vector<1x64xbf16>, vector<64x64xbf16>, vector<1x64xf32> -> vector<1x64xf32>
      %iota3A_181 = tpu.iota {dimensions = array<i32: 1>} : vector<2048x64xi32>
      %get3A_182 = arith.constant 0 : index
      %get3A_183 = arith.constant 0 : index
      %get3A_184 = vector.load %arg14[%get3A_182, %get3A_183] : memref<2048x1xi32, #tpu.memory_space<vmem>>, vector<2048x1xi32>
      %eq3A_185 = vector.broadcast %get3A_184 : vector<2048x1xi32> to vector<2048x64xi32>
      %eq3A_186 = arith.cmpi eq, %eq3A_185, %iota3A_181 : vector<2048x64xi32>
      %convert_element_type3A_187 = arith.extui %eq3A_186 : vector<2048x64xi1> to vector<2048x64xi32>
      %convert_element_type3A_188 = arith.sitofp %convert_element_type3A_187 : vector<2048x64xi32> to vector<2048x64xf32>
      %get3A_189 = arith.constant 0 : index
      %get3A_190 = arith.constant 0 : index
      %get3A_191 = vector.load %arg15[%get3A_189, %get3A_190] : memref<2048x1xi32, #tpu.memory_space<vmem>>, vector<2048x1xi32>
      %eq3A_192 = vector.broadcast %get3A_191 : vector<2048x1xi32> to vector<2048x64xi32>
      %eq3A_193 = arith.cmpi eq, %eq3A_192, %iota3A_181 : vector<2048x64xi32>
      %convert_element_type3A_194 = arith.extui %eq3A_193 : vector<2048x64xi1> to vector<2048x64xi32>
      %convert_element_type3A_195 = arith.sitofp %convert_element_type3A_194 : vector<2048x64xi32> to vector<2048x64xf32>
      %mul3A_196 = vector.broadcast %dot_general3A_180 : vector<1x64xf32> to vector<2048x64xf32>
      %mul3A_197 = arith.mulf %convert_element_type3A_188, %mul3A_196 : vector<2048x64xf32>
      %reduce_sum3A_198 = arith.constant dense<0.000000e+00> : vector<2048xf32>
      %reduce_sum3A_199 = vector.multi_reduction <add>, %mul3A_197, %reduce_sum3A_198 [1] : vector<2048x64xf32> to vector<2048xf32>
      %broadcast_in_dim3A_200 = vector.shape_cast %reduce_sum3A_199 : vector<2048xf32> to vector<2048x1xf32>
      %get3A_201 = arith.constant 0 : index
      %get3A_202 = arith.constant 0 : index
      %get3A_203 = vector.load %arg16[%get3A_201, %get3A_202] : memref<2048x1xf32, #tpu.memory_space<vmem>>, vector<2048x1xf32>
      %add3A_204 = arith.addf %broadcast_in_dim3A_200, %get3A_203 : vector<2048x1xf32>
      %mul3A_205 = vector.broadcast %dot_general3A_180 : vector<1x64xf32> to vector<2048x64xf32>
      %mul3A_206 = arith.mulf %convert_element_type3A_195, %mul3A_205 : vector<2048x64xf32>
      %reduce_sum3A_207 = arith.constant dense<0.000000e+00> : vector<2048xf32>
      %reduce_sum3A_208 = vector.multi_reduction <add>, %mul3A_206, %reduce_sum3A_207 [1] : vector<2048x64xf32> to vector<2048xf32>
      %broadcast_in_dim3A_209 = vector.shape_cast %reduce_sum3A_208 : vector<2048xf32> to vector<2048x1xf32>
      %get3A_210 = arith.constant 0 : index
      %get3A_211 = arith.constant 0 : index
      %get3A_212 = vector.load %arg17[%get3A_210, %get3A_211] : memref<2048x1xf32, #tpu.memory_space<vmem>>, vector<2048x1xf32>
      %add3A_213 = arith.addf %broadcast_in_dim3A_209, %get3A_212 : vector<2048x1xf32>
      %convert_element_type3A_214 = arith.fptosi %add3A_204 : vector<2048x1xf32> to vector<2048x1xi32>
      %swap3A_215 = arith.constant 0 : index
      %swap3A_216 = arith.constant 0 : index
      %swap3A_217 = vector.load %arg10[%swap3A_215, %swap3A_216] : memref<4096x1xi32, #tpu.memory_space<vmem>>, vector<2048x1xi32>
      tpu.vector_store %arg10[%swap3A_215, %swap3A_216], %convert_element_type3A_214 {strides = array<i32>} : memref<4096x1xi32, #tpu.memory_space<vmem>>, vector<2048x1xi32>,
      %convert_element_type3A_218 = arith.fptosi %add3A_213 : vector<2048x1xf32> to vector<2048x1xi32>
      %swap3A_219 = arith.constant 2048 : index
      %swap3A_220 = arith.constant 0 : index
      %swap3A_221 = vector.load %arg10[%swap3A_219, %swap3A_220] : memref<4096x1xi32, #tpu.memory_space<vmem>>, vector<2048x1xi32>
      tpu.vector_store %arg10[%swap3A_219, %swap3A_220], %convert_element_type3A_218 {strides = array<i32>} : memref<4096x1xi32, #tpu.memory_space<vmem>>, vector<2048x1xi32>,
      %iota3A_222 = tpu.iota {dimensions = array<i32: 0>} : vector<127x64xi32>
      %convert_element_type3A_223 = arith.sitofp %iota3A_222 : vector<127x64xi32> to vector<127x64xf32>
      %iota3A_224 = tpu.iota {dimensions = array<i32: 1>} : vector<127x64xi32>
      %convert_element_type3A_225 = arith.sitofp %iota3A_224 : vector<127x64xi32> to vector<127x64xf32>
      %div3A_226 = arith.constant 6.400000e+01 : f32
      %div3A_227 = vector.broadcast %div3A_226 : f32 to vector<1x64xf32>
      %div3A_228 = arith.divf %dot_general3A_180, %div3A_227 : vector<1x64xf32>
      %div3A_229 = arith.constant 6.400000e+01 : f32
      %div3A_230 = vector.broadcast %div3A_229 : f32 to vector<1x64xf32>
      %div3A_231 = arith.divf %mul3A_172, %div3A_230 : vector<1x64xf32>
      %ge3A = vector.broadcast %div3A_228 : vector<1x64xf32> to vector<127x64xf32>
      %ge3A_232 = arith.cmpf oge, %convert_element_type3A_223, %ge3A : vector<127x64xf32>
      %add3A_233 = arith.addf %div3A_228, %div3A_231 : vector<1x64xf32>
      %lt3A_234 = vector.broadcast %add3A_233 : vector<1x64xf32> to vector<127x64xf32>
      %lt3A_235 = arith.cmpf olt, %convert_element_type3A_223, %lt3A_234 : vector<127x64xf32>
      %and3A = arith.andi %ge3A_232, %lt3A_235 : vector<127x64xi1>
      %jit3A_236 = arith.constant 0.000000e+00 : f32
      %broadcast_in_dim3A_237 = vector.broadcast %jit3A_236 : f32 to vector<127x64xf32>
      %select_n3A_238 = arith.select %and3A, %convert_element_type3A_225, %broadcast_in_dim3A_237 : vector<127x64xi1>, vector<127x64xf32>
      %reduce_sum3A_239 = arith.constant dense<0.000000e+00> : vector<127xf32>
      %reduce_sum3A_240 = vector.multi_reduction <add>, %select_n3A_238, %reduce_sum3A_239 [1] : vector<127x64xf32> to vector<127xf32>
      %broadcast_in_dim3A_241 = vector.shape_cast %reduce_sum3A_240 : vector<127xf32> to vector<127x1xf32>
      %convert_element_type3A_242 = arith.fptosi %broadcast_in_dim3A_241 : vector<127x1xf32> to vector<127x1xi32>
      %swap3A_243 = arith.constant 0 : index
      %swap3A_244 = arith.constant 0 : index
      %swap3A_245 = vector.load %arg11[%swap3A_243, %swap3A_244] : memref<127x1xi32, #tpu.memory_space<vmem>>, vector<127x1xi32>
      tpu.vector_store %arg11[%swap3A_243, %swap3A_244], %convert_element_type3A_242 {strides = array<i32>} : memref<127x1xi32, #tpu.memory_space<vmem>>, vector<127x1xi32>,
      %reduce_sum3A_246 = arith.constant dense<0.000000e+00> : vector<1xf32>
      %reduce_sum3A_247 = vector.multi_reduction <add>, %mul3A_172, %reduce_sum3A_246 [1] : vector<1x64xf32> to vector<1xf32>
      %broadcast_in_dim3A_248 = vector.shape_cast %reduce_sum3A_247 : vector<1xf32> to vector<1x1xf32>
      %div3A_249 = arith.constant 6.400000e+01 : f32
      %div3A_250 = vector.broadcast %div3A_249 : f32 to vector<1x1xf32>
      %div3A_251 = arith.divf %broadcast_in_dim3A_248, %div3A_250 : vector<1x1xf32>
      %convert_element_type3A_252 = arith.fptosi %div3A_251 : vector<1x1xf32> to vector<1x1xi32>
      %swap3A_253 = arith.constant 0 : index
      %swap3A_254 = arith.constant 0 : index
      %swap3A_255 = vector.load %arg12[%swap3A_253, %swap3A_254] : memref<1x1xi32, #tpu.memory_space<vmem>>, vector<1x1xi32>
      tpu.vector_store %arg12[%swap3A_253, %swap3A_254], %convert_element_type3A_252 {strides = array<i32>} : memref<1x1xi32, #tpu.memory_space<vmem>>, vector<1x1xi32>,
      %get3A_256 = arith.constant 0 : index
      %get3A_257 = arith.constant 0 : index
      %get3A_258 = vector.load %arg8[%get3A_256, %get3A_257] : memref<1x64xf32, #tpu.memory_space<vmem>>, vector<1x64xf32>
      %div3A_259 = arith.constant 2.048000e+03 : f32
      %div3A_260 = vector.broadcast %div3A_259 : f32 to vector<1x64xf32>
      %div3A_261 = arith.divf %get3A_258, %div3A_260 : vector<1x64xf32>
      %div3A_262 = arith.constant 2.048000e+03 : f32
      %div3A_263 = vector.broadcast %div3A_262 : f32 to vector<1x64xf32>
      %div3A_264 = arith.divf %get3A_166, %div3A_263 : vector<1x64xf32>
      %broadcast_in_dim3A_265 = arith.constant 6.400000e+01 : f32
      %broadcast_in_dim3A_266 = vector.broadcast %broadcast_in_dim3A_265 : f32 to vector<1x1xf32>
      %mul3A_267 = arith.mulf %div3A_261, %div3A_264 : vector<1x64xf32>
      %reduce_sum3A_268 = vector.shape_cast %mul3A_267 : vector<1x64xf32> to vector<1x1x64xf32>
      %reduce_sum3A_269 = arith.constant dense<0.000000e+00> : vector<1xf32>
      %reduce_sum3A_270 = vector.multi_reduction <add>, %reduce_sum3A_268, %reduce_sum3A_269 [1, 2] : vector<1x1x64xf32> to vector<1xf32>
      %reduce_sum3A_271 = vector.shape_cast %reduce_sum3A_270 : vector<1xf32> to vector<1x1x1xf32>
      %reduce_sum3A_272 = vector.extract %reduce_sum3A_271[0, 0, 0] : f32 from vector<1x1x1xf32>
      %mul3A_273 = vector.broadcast %reduce_sum3A_272 : f32 to vector<1x1xf32>
      %mul3A_274 = arith.mulf %broadcast_in_dim3A_266, %mul3A_273 : vector<1x1xf32>
      %swap3A_275 = arith.constant 0 : index
      %swap3A_276 = arith.constant 0 : index
      %swap3A_277 = vector.load %arg13[%swap3A_275, %swap3A_276] : memref<1x1xf32, #tpu.memory_space<vmem>>, vector<1x1xf32>
      tpu.vector_store %arg13[%swap3A_275, %swap3A_276], %mul3A_274 {strides = array<i32>} : memref<1x1xf32, #tpu.memory_space<vmem>>, vector<1x1xf32>,
    } else {
    }
    return
  }
  func.func @transform_0(%arg0: i32) -> (i32, i32) {
    %c0_i32 = arith.constant 0 : i32
    %c0_i32_0 = arith.constant 0 : i32
    return %arg0, %c0_i32 : i32, i32
  }
  func.func @transform_1(%arg0: i32) -> (i32, i32) {
    %c0_i32 = arith.constant 0 : i32
    %c0_i32_0 = arith.constant 0 : i32
    %c0_i32_1 = arith.constant 0 : i32
    return %c0_i32, %c0_i32_0 : i32, i32
  }
  func.func @transform_2(%arg0: i32) -> (i32, i32) {
    %c0_i32 = arith.constant 0 : i32
    %c0_i32_0 = arith.constant 0 : i32
    %c0_i32_1 = arith.constant 0 : i32
    return %c0_i32, %c0_i32_0 : i32, i32
  }
  func.func @transform_3(%arg0: i32) -> (i32, i32) {
    %c0_i32 = arith.constant 0 : i32
    %c0_i32_0 = arith.constant 0 : i32
    %c0_i32_1 = arith.constant 0 : i32
    return %c0_i32, %c0_i32_0 : i32, i32
  }
  func.func @transform_4(%arg0: i32) -> (i32, i32) {
    %c0_i32 = arith.constant 0 : i32
    %c0_i32_0 = arith.constant 0 : i32
    return %arg0, %c0_i32 : i32, i32
  }
  func.func @transform_5(%arg0: i32) -> (i32, i32) {
    %c0_i32 = arith.constant 0 : i32
    %c0_i32_0 = arith.constant 0 : i32
    %c0_i32_1 = arith.constant 0 : i32
    return %c0_i32, %c0_i32_0 : i32, i32
  }
  func.func @transform_6(%arg0: i32) -> (i32, i32) {
    %c0_i32 = arith.constant 0 : i32
    %c0_i32_0 = arith.constant 0 : i32
    %c0_i32_1 = arith.constant 0 : i32
    return %c0_i32, %c0_i32_0 : i32, i32
  }
  func.func @transform_7(%arg0: i32) -> (i32, i32) {
    %c0_i32 = arith.constant 0 : i32
    %c0_i32_0 = arith.constant 0 : i32
    %c0_i32_1 = arith.constant 0 : i32
    return %c0_i32, %c0_i32_0 : i32, i32
  }
  func.func @transform_8(%arg0: i32) -> (i32, i32) {
    %c0_i32 = arith.constant 0 : i32
    %c0_i32_0 = arith.constant 0 : i32
    %c0_i32_1 = arith.constant 0 : i32
    return %c0_i32, %c0_i32_0 : i32, i32
  }
  func.func @transform_9(%arg0: i32) -> (i32, i32) {
    %c0_i32 = arith.constant 0 : i32
    %c0_i32_0 = arith.constant 0 : i32
    %c0_i32_1 = arith.constant 0 : i32
    return %c0_i32, %c0_i32_0 : i32, i32
  }
  func.func @transform_10(%arg0: i32) -> (i32, i32) {
    %c0_i32 = arith.constant 0 : i32
    %c0_i32_0 = arith.constant 0 : i32
    %c0_i32_1 = arith.constant 0 : i32
    return %c0_i32, %c0_i32_0 : i32, i32
  }
  func.func @transform_11(%arg0: i32) -> (i32, i32) {
    %c0_i32 = arith.constant 0 : i32
    %c0_i32_0 = arith.constant 0 : i32
    %c0_i32_1 = arith.constant 0 : i32
    return %c0_i32, %c0_i32_0 : i32, i32
  }
  func.func @transform_12(%arg0: i32) -> (i32, i32) {
    %c0_i32 = arith.constant 0 : i32
    %c0_i32_0 = arith.constant 0 : i32
    %c0_i32_1 = arith.constant 0 : i32
    return %c0_i32, %c0_i32_0 : i32, i32
  }
}

module attributes {stable_mosaic.version = 14 : i64} {
  func.func @_recon_kernel(%arg0: i32, %arg1: memref<512x128xf32, #tpu.memory_space<vmem>>, %arg2: memref<512x128xf32, #tpu.memory_space<vmem>>, %arg3: memref<512x128xf32, #tpu.memory_space<vmem>>, %arg4: memref<512x1xf32, #tpu.memory_space<vmem>>, %arg5: memref<512x1xf32, #tpu.memory_space<vmem>>, %arg6: memref<128x2048xf32, #tpu.memory_space<vmem>>, %arg7: memref<1x2048xf32, #tpu.memory_space<vmem>>, %arg8: memref<1x1xf32, #tpu.memory_space<vmem>>, %arg9: memref<512x2048xf32, #tpu.memory_space<vmem>>, %arg10: memref<512x1xf32, #tpu.memory_space<vmem>>) attributes {dimension_semantics = [#tpu.dimension_semantics<arbitrary>], iteration_bounds = array<i64: 4>, scalar_prefetch = 0 : i64, scratch_operands = 0 : i64, tpu.core_type = #tpu.core_type<tc>, window_params = [{transform_indices = @transform_0, window_bounds = array<i64: 512, 128>}, {transform_indices = @transform_1, window_bounds = array<i64: 512, 128>}, {transform_indices = @transform_2, window_bounds = array<i64: 512, 128>}, {transform_indices = @transform_3, window_bounds = array<i64: 512, 1>}, {transform_indices = @transform_4, window_bounds = array<i64: 512, 1>}, {pipeline_mode = #tpu.pipeline_mode<synchronous>, transform_indices = @transform_5, window_bounds = array<i64: 128, 2048>}, {pipeline_mode = #tpu.pipeline_mode<synchronous>, transform_indices = @transform_6, window_bounds = array<i64: 1, 2048>}, {pipeline_mode = #tpu.pipeline_mode<synchronous>, transform_indices = @transform_7, window_bounds = array<i64: 1, 1>}, {transform_indices = @transform_8, window_bounds = array<i64: 512, 2048>}, {transform_indices = @transform_9, window_bounds = array<i64: 512, 1>}]} {
    %get3A = arith.constant 0 : index
    %get3A_0 = arith.constant 0 : index
    %get3A_1 = vector.load %arg4[%get3A, %get3A_0] : memref<512x1xf32, #tpu.memory_space<vmem>>, vector<512x1xf32>
    %get3A_2 = arith.constant 0 : index
    %get3A_3 = arith.constant 0 : index
    %get3A_4 = vector.load %arg2[%get3A_2, %get3A_3] : memref<512x128xf32, #tpu.memory_space<vmem>>, vector<512x128xf32>
    %mul3A = vector.broadcast %get3A_1 : vector<512x1xf32> to vector<512x128xf32>
    %mul3A_5 = arith.mulf %mul3A, %get3A_4 : vector<512x128xf32>
    %get3A_6 = arith.constant 0 : index
    %get3A_7 = arith.constant 0 : index
    %get3A_8 = vector.load %arg5[%get3A_6, %get3A_7] : memref<512x1xf32, #tpu.memory_space<vmem>>, vector<512x1xf32>
    %get3A_9 = arith.constant 0 : index
    %get3A_10 = arith.constant 0 : index
    %get3A_11 = vector.load %arg3[%get3A_9, %get3A_10] : memref<512x128xf32, #tpu.memory_space<vmem>>, vector<512x128xf32>
    %mul3A_12 = vector.broadcast %get3A_8 : vector<512x1xf32> to vector<512x128xf32>
    %mul3A_13 = arith.mulf %mul3A_12, %get3A_11 : vector<512x128xf32>
    %add3A = arith.addf %mul3A_5, %mul3A_13 : vector<512x128xf32>
    %mul3A_14 = arith.constant 3.125000e-02 : f32
    %mul3A_15 = vector.broadcast %mul3A_14 : f32 to vector<512x128xf32>
    %mul3A_16 = arith.mulf %add3A, %mul3A_15 : vector<512x128xf32>
    %get3A_17 = arith.constant 0 : index
    %get3A_18 = arith.constant 0 : index
    %get3A_19 = vector.load %arg1[%get3A_17, %get3A_18] : memref<512x128xf32, #tpu.memory_space<vmem>>, vector<512x128xf32>
    %mul3A_20 = arith.constant 9.687500e-01 : f32
    %mul3A_21 = vector.broadcast %mul3A_20 : f32 to vector<512x128xf32>
    %mul3A_22 = arith.mulf %get3A_19, %mul3A_21 : vector<512x128xf32>
    %add3A_23 = arith.addf %mul3A_16, %mul3A_22 : vector<512x128xf32>
    %convert_element_type3A = arith.truncf %add3A_23 : vector<512x128xf32> to vector<512x128xbf16>
    %get3A_24 = arith.constant 0 : index
    %get3A_25 = arith.constant 0 : index
    %get3A_26 = vector.load %arg6[%get3A_24, %get3A_25] : memref<128x2048xf32, #tpu.memory_space<vmem>>, vector<128x2048xf32>
    %convert_element_type3A_27 = arith.truncf %get3A_26 : vector<128x2048xf32> to vector<128x2048xbf16>
    %dot_general3A = arith.constant dense<0.000000e+00> : vector<512x2048xf32>
    %dot_general3A_28 = tpu.matmul %convert_element_type3A, %convert_element_type3A_27, %dot_general3A {dimension_numbers = #tpu.dot_dimension_numbers<[1], [0], [0], [1], [0, 0, 1, 1], [], []>, transpose_lhs_hint = false} : vector<512x128xbf16>, vector<128x2048xbf16>, vector<512x2048xf32> -> vector<512x2048xf32>
    %swap3A = arith.constant 0 : index
    %swap3A_29 = arith.constant 0 : index
    %swap3A_30 = vector.load %arg9[%swap3A, %swap3A_29] : memref<512x2048xf32, #tpu.memory_space<vmem>>, vector<512x2048xf32>
    tpu.vector_store %arg9[%swap3A, %swap3A_29], %dot_general3A_28 {strides = array<i32>} : memref<512x2048xf32, #tpu.memory_space<vmem>>, vector<512x2048xf32>,
    %get3A_31 = arith.constant 0 : index
    %get3A_32 = arith.constant 0 : index
    %get3A_33 = vector.load %arg7[%get3A_31, %get3A_32] : memref<1x2048xf32, #tpu.memory_space<vmem>>, vector<1x2048xf32>
    %mul3A_34 = vector.broadcast %get3A_33 : vector<1x2048xf32> to vector<512x2048xf32>
    %mul3A_35 = arith.mulf %dot_general3A_28, %mul3A_34 : vector<512x2048xf32>
    %reduce_sum3A = arith.constant dense<0.000000e+00> : vector<512xf32>
    %reduce_sum3A_36 = vector.multi_reduction <add>, %mul3A_35, %reduce_sum3A [1] : vector<512x2048xf32> to vector<512xf32>
    %broadcast_in_dim3A = vector.shape_cast %reduce_sum3A_36 : vector<512xf32> to vector<512x1xf32>
    %get3A_37 = arith.constant 0 : index
    %get3A_38 = arith.constant 0 : index
    %get3A_39 = vector.load %arg8[%get3A_37, %get3A_38] : memref<1x1xf32, #tpu.memory_space<vmem>>, vector<1x1xf32>
    %add3A_40 = vector.broadcast %get3A_39 : vector<1x1xf32> to vector<512x1xf32>
    %add3A_41 = arith.addf %broadcast_in_dim3A, %add3A_40 : vector<512x1xf32>
    %logistic3A = arith.negf %add3A_41 : vector<512x1xf32>
    %logistic3A_42 = math.exp %logistic3A : vector<512x1xf32>
    %logistic3A_43 = arith.constant 1.000000e+00 : f32
    %logistic3A_44 = vector.broadcast %logistic3A_43 : f32 to vector<512x1xf32>
    %logistic3A_45 = arith.addf %logistic3A_44, %logistic3A_42 : vector<512x1xf32>
    %logistic3A_46 = arith.divf %logistic3A_44, %logistic3A_45 : vector<512x1xf32>
    %swap3A_47 = arith.constant 0 : index
    %swap3A_48 = arith.constant 0 : index
    %swap3A_49 = vector.load %arg10[%swap3A_47, %swap3A_48] : memref<512x1xf32, #tpu.memory_space<vmem>>, vector<512x1xf32>
    tpu.vector_store %arg10[%swap3A_47, %swap3A_48], %logistic3A_46 {strides = array<i32>} : memref<512x1xf32, #tpu.memory_space<vmem>>, vector<512x1xf32>,
    return
  }
  func.func @transform_0(%arg0: i32) -> (i32, i32) {
    %c0_i32 = arith.constant 0 : i32
    %c0_i32_0 = arith.constant 0 : i32
    return %arg0, %c0_i32 : i32, i32
  }
  func.func @transform_1(%arg0: i32) -> (i32, i32) {
    %c0_i32 = arith.constant 0 : i32
    %c0_i32_0 = arith.constant 0 : i32
    return %arg0, %c0_i32 : i32, i32
  }
  func.func @transform_2(%arg0: i32) -> (i32, i32) {
    %add3A = arith.constant 4 : i32
    %add3A_0 = arith.addi %arg0, %add3A : i32
    %c0_i32 = arith.constant 0 : i32
    %c0_i32_1 = arith.constant 0 : i32
    return %add3A_0, %c0_i32 : i32, i32
  }
  func.func @transform_3(%arg0: i32) -> (i32, i32) {
    %c0_i32 = arith.constant 0 : i32
    %c0_i32_0 = arith.constant 0 : i32
    return %arg0, %c0_i32 : i32, i32
  }
  func.func @transform_4(%arg0: i32) -> (i32, i32) {
    %c0_i32 = arith.constant 0 : i32
    %c0_i32_0 = arith.constant 0 : i32
    return %arg0, %c0_i32 : i32, i32
  }
  func.func @transform_5(%arg0: i32) -> (i32, i32) {
    %c0_i32 = arith.constant 0 : i32
    %c0_i32_0 = arith.constant 0 : i32
    %c0_i32_1 = arith.constant 0 : i32
    return %c0_i32, %c0_i32_0 : i32, i32
  }
  func.func @transform_6(%arg0: i32) -> (i32, i32) {
    %c0_i32 = arith.constant 0 : i32
    %c0_i32_0 = arith.constant 0 : i32
    %c0_i32_1 = arith.constant 0 : i32
    return %c0_i32, %c0_i32_0 : i32, i32
  }
  func.func @transform_7(%arg0: i32) -> (i32, i32) {
    %c0_i32 = arith.constant 0 : i32
    %c0_i32_0 = arith.constant 0 : i32
    %c0_i32_1 = arith.constant 0 : i32
    return %c0_i32, %c0_i32_0 : i32, i32
  }
  func.func @transform_8(%arg0: i32) -> (i32, i32) {
    %c0_i32 = arith.constant 0 : i32
    %c0_i32_0 = arith.constant 0 : i32
    return %arg0, %c0_i32 : i32, i32
  }
  func.func @transform_9(%arg0: i32) -> (i32, i32) {
    %c0_i32 = arith.constant 0 : i32
    %c0_i32_0 = arith.constant 0 : i32
    return %arg0, %c0_i32 : i32, i32
  }
}

module attributes {stable_mosaic.version = 14 : i64} {
  func.func @_experts_kernel(%arg0: i32, %arg1: memref<127xi32, #tpu.memory_space<smem>>, %arg2: memref<1xi32, #tpu.memory_space<smem>>, %arg3: memref<256x128xf32, #tpu.memory_space<vmem>>, %arg4: memref<64x128x128xf32, #tpu.memory_space<vmem>>, %arg5: memref<64x1x128xf32, #tpu.memory_space<vmem>>, %arg6: memref<64x128x128xf32, #tpu.memory_space<vmem>>, %arg7: memref<64x1x128xf32, #tpu.memory_space<vmem>>, %arg8: memref<256x128xf32, #tpu.memory_space<vmem>>) attributes {dimension_semantics = [#tpu.dimension_semantics<arbitrary>], iteration_bounds = array<i64: 31>, scalar_prefetch = 2 : i64, scratch_operands = 0 : i64, tpu.core_type = #tpu.core_type<tc>, window_params = [{transform_indices = @transform_0, window_bounds = array<i64: 256, 128>}, {pipeline_mode = #tpu.pipeline_mode<synchronous>, transform_indices = @transform_1, window_bounds = array<i64: 64, 128, 128>}, {pipeline_mode = #tpu.pipeline_mode<synchronous>, transform_indices = @transform_2, window_bounds = array<i64: 64, 1, 128>}, {pipeline_mode = #tpu.pipeline_mode<synchronous>, transform_indices = @transform_3, window_bounds = array<i64: 64, 128, 128>}, {pipeline_mode = #tpu.pipeline_mode<synchronous>, transform_indices = @transform_4, window_bounds = array<i64: 64, 1, 128>}, {transform_indices = @transform_5, window_bounds = array<i64: 256, 128>}]} {
    %mul3A = arith.constant 4 : i32
    %mul3A_0 = arith.muli %mul3A, %arg0 : i32
    %get3A = arith.constant 0 : index
    %get3A_1 = memref.load %arg2[%get3A] : memref<1xi32, #tpu.memory_space<smem>>
    %lt3A = arith.cmpi slt, %mul3A_0, %get3A_1 : i32
    %convert_element_type3A = arith.extui %lt3A : i1 to i32
    %cond3A = arith.constant 0 : i32
    %cond3A_2 = arith.cmpi ne, %convert_element_type3A, %cond3A : i32
    scf.if %cond3A_2 {
      %mul3A_3 = arith.constant 4 : i32
      %mul3A_4 = arith.muli %mul3A_3, %arg0 : i32
      %add3A = arith.constant 0 : i32
      %add3A_5 = arith.addi %mul3A_4, %add3A : i32
      %get3A_6 = arith.index_cast %add3A_5 : i32 to index
      %get3A_7 = memref.load %arg1[%get3A_6] : memref<127xi32, #tpu.memory_space<smem>>
      %get3A_8 = arith.constant 0 : index
      %get3A_9 = arith.constant 0 : index
      %get3A_10 = vector.load %arg3[%get3A_8, %get3A_9] : memref<256x128xf32, #tpu.memory_space<vmem>>, vector<64x128xf32>
      %convert_element_type3A_11 = arith.truncf %get3A_10 : vector<64x128xf32> to vector<64x128xbf16>
      %get3A_12 = arith.index_cast %get3A_7 : i32 to index
      %get3A_13 = arith.constant 0 : index
      %get3A_14 = arith.constant 0 : index
      %get3A_15 = vector.load %arg4[%get3A_12, %get3A_13, %get3A_14] : memref<64x128x128xf32, #tpu.memory_space<vmem>>, vector<1x128x128xf32>
      %get3A_16 = vector.shape_cast %get3A_15 : vector<1x128x128xf32> to vector<128x128xf32>
      %convert_element_type3A_17 = arith.truncf %get3A_16 : vector<128x128xf32> to vector<128x128xbf16>
      %dot_general3A = arith.constant dense<0.000000e+00> : vector<64x128xf32>
      %dot_general3A_18 = tpu.matmul %convert_element_type3A_11, %convert_element_type3A_17, %dot_general3A {dimension_numbers = #tpu.dot_dimension_numbers<[1], [0], [0], [1], [0, 0, 1, 1], [], []>, transpose_lhs_hint = false} : vector<64x128xbf16>, vector<128x128xbf16>, vector<64x128xf32> -> vector<64x128xf32>
      %get3A_19 = arith.index_cast %get3A_7 : i32 to index
      %get3A_20 = arith.constant 0 : index
      %get3A_21 = arith.constant 0 : index
      %get3A_22 = vector.load %arg5[%get3A_19, %get3A_20, %get3A_21] : memref<64x1x128xf32, #tpu.memory_space<vmem>>, vector<1x1x128xf32>
      %get3A_23 = vector.shape_cast %get3A_22 : vector<1x1x128xf32> to vector<1x128xf32>
      %add3A_24 = vector.broadcast %get3A_23 : vector<1x128xf32> to vector<64x128xf32>
      %add3A_25 = arith.addf %dot_general3A_18, %add3A_24 : vector<64x128xf32>
      %integer_pow3A = arith.mulf %add3A_25, %add3A_25 : vector<64x128xf32>
      %integer_pow3A_26 = arith.mulf %add3A_25, %integer_pow3A : vector<64x128xf32>
      %mul3A_27 = arith.constant 4.471500e-02 : f32
      %mul3A_28 = vector.broadcast %mul3A_27 : f32 to vector<64x128xf32>
      %mul3A_29 = arith.mulf %mul3A_28, %integer_pow3A_26 : vector<64x128xf32>
      %add3A_30 = arith.addf %add3A_25, %mul3A_29 : vector<64x128xf32>
      %mul3A_31 = arith.constant 0.797884583 : f32
      %mul3A_32 = vector.broadcast %mul3A_31 : f32 to vector<64x128xf32>
      %mul3A_33 = arith.mulf %mul3A_32, %add3A_30 : vector<64x128xf32>
      %tanh3A = math.tanh %mul3A_33 : vector<64x128xf32>
      %add3A_34 = arith.constant 1.000000e+00 : f32
      %add3A_35 = vector.broadcast %add3A_34 : f32 to vector<64x128xf32>
      %add3A_36 = arith.addf %add3A_35, %tanh3A : vector<64x128xf32>
      %mul3A_37 = arith.constant 5.000000e-01 : f32
      %mul3A_38 = vector.broadcast %mul3A_37 : f32 to vector<64x128xf32>
      %mul3A_39 = arith.mulf %mul3A_38, %add3A_36 : vector<64x128xf32>
      %mul3A_40 = arith.mulf %add3A_25, %mul3A_39 : vector<64x128xf32>
      %convert_element_type3A_41 = arith.truncf %mul3A_40 : vector<64x128xf32> to vector<64x128xbf16>
      %get3A_42 = arith.index_cast %get3A_7 : i32 to index
      %get3A_43 = arith.constant 0 : index
      %get3A_44 = arith.constant 0 : index
      %get3A_45 = vector.load %arg6[%get3A_42, %get3A_43, %get3A_44] : memref<64x128x128xf32, #tpu.memory_space<vmem>>, vector<1x128x128xf32>
      %get3A_46 = vector.shape_cast %get3A_45 : vector<1x128x128xf32> to vector<128x128xf32>
      %convert_element_type3A_47 = arith.truncf %get3A_46 : vector<128x128xf32> to vector<128x128xbf16>
      %dot_general3A_48 = arith.constant dense<0.000000e+00> : vector<64x128xf32>
      %dot_general3A_49 = tpu.matmul %convert_element_type3A_41, %convert_element_type3A_47, %dot_general3A_48 {dimension_numbers = #tpu.dot_dimension_numbers<[1], [0], [0], [1], [0, 0, 1, 1], [], []>, transpose_lhs_hint = false} : vector<64x128xbf16>, vector<128x128xbf16>, vector<64x128xf32> -> vector<64x128xf32>
      %get3A_50 = arith.index_cast %get3A_7 : i32 to index
      %get3A_51 = arith.constant 0 : index
      %get3A_52 = arith.constant 0 : index
      %get3A_53 = vector.load %arg7[%get3A_50, %get3A_51, %get3A_52] : memref<64x1x128xf32, #tpu.memory_space<vmem>>, vector<1x1x128xf32>
      %get3A_54 = vector.shape_cast %get3A_53 : vector<1x1x128xf32> to vector<1x128xf32>
      %add3A_55 = vector.broadcast %get3A_54 : vector<1x128xf32> to vector<64x128xf32>
      %add3A_56 = arith.addf %dot_general3A_49, %add3A_55 : vector<64x128xf32>
      %swap3A = arith.constant 0 : index
      %swap3A_57 = arith.constant 0 : index
      %swap3A_58 = vector.load %arg8[%swap3A, %swap3A_57] : memref<256x128xf32, #tpu.memory_space<vmem>>, vector<64x128xf32>
      tpu.vector_store %arg8[%swap3A, %swap3A_57], %add3A_56 {strides = array<i32>} : memref<256x128xf32, #tpu.memory_space<vmem>>, vector<64x128xf32>,
      %mul3A_59 = arith.constant 4 : i32
      %mul3A_60 = arith.muli %mul3A_59, %arg0 : i32
      %add3A_61 = arith.constant 1 : i32
      %add3A_62 = arith.addi %mul3A_60, %add3A_61 : i32
      %get3A_63 = arith.index_cast %add3A_62 : i32 to index
      %get3A_64 = memref.load %arg1[%get3A_63] : memref<127xi32, #tpu.memory_space<smem>>
      %get3A_65 = arith.constant 64 : index
      %get3A_66 = arith.constant 0 : index
      %get3A_67 = vector.load %arg3[%get3A_65, %get3A_66] : memref<256x128xf32, #tpu.memory_space<vmem>>, vector<64x128xf32>
      %convert_element_type3A_68 = arith.truncf %get3A_67 : vector<64x128xf32> to vector<64x128xbf16>
      %get3A_69 = arith.index_cast %get3A_64 : i32 to index
      %get3A_70 = arith.constant 0 : index
      %get3A_71 = arith.constant 0 : index
      %get3A_72 = vector.load %arg4[%get3A_69, %get3A_70, %get3A_71] : memref<64x128x128xf32, #tpu.memory_space<vmem>>, vector<1x128x128xf32>
      %get3A_73 = vector.shape_cast %get3A_72 : vector<1x128x128xf32> to vector<128x128xf32>
      %convert_element_type3A_74 = arith.truncf %get3A_73 : vector<128x128xf32> to vector<128x128xbf16>
      %dot_general3A_75 = arith.constant dense<0.000000e+00> : vector<64x128xf32>
      %dot_general3A_76 = tpu.matmul %convert_element_type3A_68, %convert_element_type3A_74, %dot_general3A_75 {dimension_numbers = #tpu.dot_dimension_numbers<[1], [0], [0], [1], [0, 0, 1, 1], [], []>, transpose_lhs_hint = false} : vector<64x128xbf16>, vector<128x128xbf16>, vector<64x128xf32> -> vector<64x128xf32>
      %get3A_77 = arith.index_cast %get3A_64 : i32 to index
      %get3A_78 = arith.constant 0 : index
      %get3A_79 = arith.constant 0 : index
      %get3A_80 = vector.load %arg5[%get3A_77, %get3A_78, %get3A_79] : memref<64x1x128xf32, #tpu.memory_space<vmem>>, vector<1x1x128xf32>
      %get3A_81 = vector.shape_cast %get3A_80 : vector<1x1x128xf32> to vector<1x128xf32>
      %add3A_82 = vector.broadcast %get3A_81 : vector<1x128xf32> to vector<64x128xf32>
      %add3A_83 = arith.addf %dot_general3A_76, %add3A_82 : vector<64x128xf32>
      %integer_pow3A_84 = arith.mulf %add3A_83, %add3A_83 : vector<64x128xf32>
      %integer_pow3A_85 = arith.mulf %add3A_83, %integer_pow3A_84 : vector<64x128xf32>
      %mul3A_86 = arith.constant 4.471500e-02 : f32
      %mul3A_87 = vector.broadcast %mul3A_86 : f32 to vector<64x128xf32>
      %mul3A_88 = arith.mulf %mul3A_87, %integer_pow3A_85 : vector<64x128xf32>
      %add3A_89 = arith.addf %add3A_83, %mul3A_88 : vector<64x128xf32>
      %mul3A_90 = arith.constant 0.797884583 : f32
      %mul3A_91 = vector.broadcast %mul3A_90 : f32 to vector<64x128xf32>
      %mul3A_92 = arith.mulf %mul3A_91, %add3A_89 : vector<64x128xf32>
      %tanh3A_93 = math.tanh %mul3A_92 : vector<64x128xf32>
      %add3A_94 = arith.constant 1.000000e+00 : f32
      %add3A_95 = vector.broadcast %add3A_94 : f32 to vector<64x128xf32>
      %add3A_96 = arith.addf %add3A_95, %tanh3A_93 : vector<64x128xf32>
      %mul3A_97 = arith.constant 5.000000e-01 : f32
      %mul3A_98 = vector.broadcast %mul3A_97 : f32 to vector<64x128xf32>
      %mul3A_99 = arith.mulf %mul3A_98, %add3A_96 : vector<64x128xf32>
      %mul3A_100 = arith.mulf %add3A_83, %mul3A_99 : vector<64x128xf32>
      %convert_element_type3A_101 = arith.truncf %mul3A_100 : vector<64x128xf32> to vector<64x128xbf16>
      %get3A_102 = arith.index_cast %get3A_64 : i32 to index
      %get3A_103 = arith.constant 0 : index
      %get3A_104 = arith.constant 0 : index
      %get3A_105 = vector.load %arg6[%get3A_102, %get3A_103, %get3A_104] : memref<64x128x128xf32, #tpu.memory_space<vmem>>, vector<1x128x128xf32>
      %get3A_106 = vector.shape_cast %get3A_105 : vector<1x128x128xf32> to vector<128x128xf32>
      %convert_element_type3A_107 = arith.truncf %get3A_106 : vector<128x128xf32> to vector<128x128xbf16>
      %dot_general3A_108 = arith.constant dense<0.000000e+00> : vector<64x128xf32>
      %dot_general3A_109 = tpu.matmul %convert_element_type3A_101, %convert_element_type3A_107, %dot_general3A_108 {dimension_numbers = #tpu.dot_dimension_numbers<[1], [0], [0], [1], [0, 0, 1, 1], [], []>, transpose_lhs_hint = false} : vector<64x128xbf16>, vector<128x128xbf16>, vector<64x128xf32> -> vector<64x128xf32>
      %get3A_110 = arith.index_cast %get3A_64 : i32 to index
      %get3A_111 = arith.constant 0 : index
      %get3A_112 = arith.constant 0 : index
      %get3A_113 = vector.load %arg7[%get3A_110, %get3A_111, %get3A_112] : memref<64x1x128xf32, #tpu.memory_space<vmem>>, vector<1x1x128xf32>
      %get3A_114 = vector.shape_cast %get3A_113 : vector<1x1x128xf32> to vector<1x128xf32>
      %add3A_115 = vector.broadcast %get3A_114 : vector<1x128xf32> to vector<64x128xf32>
      %add3A_116 = arith.addf %dot_general3A_109, %add3A_115 : vector<64x128xf32>
      %swap3A_117 = arith.constant 64 : index
      %swap3A_118 = arith.constant 0 : index
      %swap3A_119 = vector.load %arg8[%swap3A_117, %swap3A_118] : memref<256x128xf32, #tpu.memory_space<vmem>>, vector<64x128xf32>
      tpu.vector_store %arg8[%swap3A_117, %swap3A_118], %add3A_116 {strides = array<i32>} : memref<256x128xf32, #tpu.memory_space<vmem>>, vector<64x128xf32>,
      %mul3A_120 = arith.constant 4 : i32
      %mul3A_121 = arith.muli %mul3A_120, %arg0 : i32
      %add3A_122 = arith.constant 2 : i32
      %add3A_123 = arith.addi %mul3A_121, %add3A_122 : i32
      %get3A_124 = arith.index_cast %add3A_123 : i32 to index
      %get3A_125 = memref.load %arg1[%get3A_124] : memref<127xi32, #tpu.memory_space<smem>>
      %get3A_126 = arith.constant 128 : index
      %get3A_127 = arith.constant 0 : index
      %get3A_128 = vector.load %arg3[%get3A_126, %get3A_127] : memref<256x128xf32, #tpu.memory_space<vmem>>, vector<64x128xf32>
      %convert_element_type3A_129 = arith.truncf %get3A_128 : vector<64x128xf32> to vector<64x128xbf16>
      %get3A_130 = arith.index_cast %get3A_125 : i32 to index
      %get3A_131 = arith.constant 0 : index
      %get3A_132 = arith.constant 0 : index
      %get3A_133 = vector.load %arg4[%get3A_130, %get3A_131, %get3A_132] : memref<64x128x128xf32, #tpu.memory_space<vmem>>, vector<1x128x128xf32>
      %get3A_134 = vector.shape_cast %get3A_133 : vector<1x128x128xf32> to vector<128x128xf32>
      %convert_element_type3A_135 = arith.truncf %get3A_134 : vector<128x128xf32> to vector<128x128xbf16>
      %dot_general3A_136 = arith.constant dense<0.000000e+00> : vector<64x128xf32>
      %dot_general3A_137 = tpu.matmul %convert_element_type3A_129, %convert_element_type3A_135, %dot_general3A_136 {dimension_numbers = #tpu.dot_dimension_numbers<[1], [0], [0], [1], [0, 0, 1, 1], [], []>, transpose_lhs_hint = false} : vector<64x128xbf16>, vector<128x128xbf16>, vector<64x128xf32> -> vector<64x128xf32>
      %get3A_138 = arith.index_cast %get3A_125 : i32 to index
      %get3A_139 = arith.constant 0 : index
      %get3A_140 = arith.constant 0 : index
      %get3A_141 = vector.load %arg5[%get3A_138, %get3A_139, %get3A_140] : memref<64x1x128xf32, #tpu.memory_space<vmem>>, vector<1x1x128xf32>
      %get3A_142 = vector.shape_cast %get3A_141 : vector<1x1x128xf32> to vector<1x128xf32>
      %add3A_143 = vector.broadcast %get3A_142 : vector<1x128xf32> to vector<64x128xf32>
      %add3A_144 = arith.addf %dot_general3A_137, %add3A_143 : vector<64x128xf32>
      %integer_pow3A_145 = arith.mulf %add3A_144, %add3A_144 : vector<64x128xf32>
      %integer_pow3A_146 = arith.mulf %add3A_144, %integer_pow3A_145 : vector<64x128xf32>
      %mul3A_147 = arith.constant 4.471500e-02 : f32
      %mul3A_148 = vector.broadcast %mul3A_147 : f32 to vector<64x128xf32>
      %mul3A_149 = arith.mulf %mul3A_148, %integer_pow3A_146 : vector<64x128xf32>
      %add3A_150 = arith.addf %add3A_144, %mul3A_149 : vector<64x128xf32>
      %mul3A_151 = arith.constant 0.797884583 : f32
      %mul3A_152 = vector.broadcast %mul3A_151 : f32 to vector<64x128xf32>
      %mul3A_153 = arith.mulf %mul3A_152, %add3A_150 : vector<64x128xf32>
      %tanh3A_154 = math.tanh %mul3A_153 : vector<64x128xf32>
      %add3A_155 = arith.constant 1.000000e+00 : f32
      %add3A_156 = vector.broadcast %add3A_155 : f32 to vector<64x128xf32>
      %add3A_157 = arith.addf %add3A_156, %tanh3A_154 : vector<64x128xf32>
      %mul3A_158 = arith.constant 5.000000e-01 : f32
      %mul3A_159 = vector.broadcast %mul3A_158 : f32 to vector<64x128xf32>
      %mul3A_160 = arith.mulf %mul3A_159, %add3A_157 : vector<64x128xf32>
      %mul3A_161 = arith.mulf %add3A_144, %mul3A_160 : vector<64x128xf32>
      %convert_element_type3A_162 = arith.truncf %mul3A_161 : vector<64x128xf32> to vector<64x128xbf16>
      %get3A_163 = arith.index_cast %get3A_125 : i32 to index
      %get3A_164 = arith.constant 0 : index
      %get3A_165 = arith.constant 0 : index
      %get3A_166 = vector.load %arg6[%get3A_163, %get3A_164, %get3A_165] : memref<64x128x128xf32, #tpu.memory_space<vmem>>, vector<1x128x128xf32>
      %get3A_167 = vector.shape_cast %get3A_166 : vector<1x128x128xf32> to vector<128x128xf32>
      %convert_element_type3A_168 = arith.truncf %get3A_167 : vector<128x128xf32> to vector<128x128xbf16>
      %dot_general3A_169 = arith.constant dense<0.000000e+00> : vector<64x128xf32>
      %dot_general3A_170 = tpu.matmul %convert_element_type3A_162, %convert_element_type3A_168, %dot_general3A_169 {dimension_numbers = #tpu.dot_dimension_numbers<[1], [0], [0], [1], [0, 0, 1, 1], [], []>, transpose_lhs_hint = false} : vector<64x128xbf16>, vector<128x128xbf16>, vector<64x128xf32> -> vector<64x128xf32>
      %get3A_171 = arith.index_cast %get3A_125 : i32 to index
      %get3A_172 = arith.constant 0 : index
      %get3A_173 = arith.constant 0 : index
      %get3A_174 = vector.load %arg7[%get3A_171, %get3A_172, %get3A_173] : memref<64x1x128xf32, #tpu.memory_space<vmem>>, vector<1x1x128xf32>
      %get3A_175 = vector.shape_cast %get3A_174 : vector<1x1x128xf32> to vector<1x128xf32>
      %add3A_176 = vector.broadcast %get3A_175 : vector<1x128xf32> to vector<64x128xf32>
      %add3A_177 = arith.addf %dot_general3A_170, %add3A_176 : vector<64x128xf32>
      %swap3A_178 = arith.constant 128 : index
      %swap3A_179 = arith.constant 0 : index
      %swap3A_180 = vector.load %arg8[%swap3A_178, %swap3A_179] : memref<256x128xf32, #tpu.memory_space<vmem>>, vector<64x128xf32>
      tpu.vector_store %arg8[%swap3A_178, %swap3A_179], %add3A_177 {strides = array<i32>} : memref<256x128xf32, #tpu.memory_space<vmem>>, vector<64x128xf32>,
      %mul3A_181 = arith.constant 4 : i32
      %mul3A_182 = arith.muli %mul3A_181, %arg0 : i32
      %add3A_183 = arith.constant 3 : i32
      %add3A_184 = arith.addi %mul3A_182, %add3A_183 : i32
      %get3A_185 = arith.index_cast %add3A_184 : i32 to index
      %get3A_186 = memref.load %arg1[%get3A_185] : memref<127xi32, #tpu.memory_space<smem>>
      %get3A_187 = arith.constant 192 : index
      %get3A_188 = arith.constant 0 : index
      %get3A_189 = vector.load %arg3[%get3A_187, %get3A_188] : memref<256x128xf32, #tpu.memory_space<vmem>>, vector<64x128xf32>
      %convert_element_type3A_190 = arith.truncf %get3A_189 : vector<64x128xf32> to vector<64x128xbf16>
      %get3A_191 = arith.index_cast %get3A_186 : i32 to index
      %get3A_192 = arith.constant 0 : index
      %get3A_193 = arith.constant 0 : index
      %get3A_194 = vector.load %arg4[%get3A_191, %get3A_192, %get3A_193] : memref<64x128x128xf32, #tpu.memory_space<vmem>>, vector<1x128x128xf32>
      %get3A_195 = vector.shape_cast %get3A_194 : vector<1x128x128xf32> to vector<128x128xf32>
      %convert_element_type3A_196 = arith.truncf %get3A_195 : vector<128x128xf32> to vector<128x128xbf16>
      %dot_general3A_197 = arith.constant dense<0.000000e+00> : vector<64x128xf32>
      %dot_general3A_198 = tpu.matmul %convert_element_type3A_190, %convert_element_type3A_196, %dot_general3A_197 {dimension_numbers = #tpu.dot_dimension_numbers<[1], [0], [0], [1], [0, 0, 1, 1], [], []>, transpose_lhs_hint = false} : vector<64x128xbf16>, vector<128x128xbf16>, vector<64x128xf32> -> vector<64x128xf32>
      %get3A_199 = arith.index_cast %get3A_186 : i32 to index
      %get3A_200 = arith.constant 0 : index
      %get3A_201 = arith.constant 0 : index
      %get3A_202 = vector.load %arg5[%get3A_199, %get3A_200, %get3A_201] : memref<64x1x128xf32, #tpu.memory_space<vmem>>, vector<1x1x128xf32>
      %get3A_203 = vector.shape_cast %get3A_202 : vector<1x1x128xf32> to vector<1x128xf32>
      %add3A_204 = vector.broadcast %get3A_203 : vector<1x128xf32> to vector<64x128xf32>
      %add3A_205 = arith.addf %dot_general3A_198, %add3A_204 : vector<64x128xf32>
      %integer_pow3A_206 = arith.mulf %add3A_205, %add3A_205 : vector<64x128xf32>
      %integer_pow3A_207 = arith.mulf %add3A_205, %integer_pow3A_206 : vector<64x128xf32>
      %mul3A_208 = arith.constant 4.471500e-02 : f32
      %mul3A_209 = vector.broadcast %mul3A_208 : f32 to vector<64x128xf32>
      %mul3A_210 = arith.mulf %mul3A_209, %integer_pow3A_207 : vector<64x128xf32>
      %add3A_211 = arith.addf %add3A_205, %mul3A_210 : vector<64x128xf32>
      %mul3A_212 = arith.constant 0.797884583 : f32
      %mul3A_213 = vector.broadcast %mul3A_212 : f32 to vector<64x128xf32>
      %mul3A_214 = arith.mulf %mul3A_213, %add3A_211 : vector<64x128xf32>
      %tanh3A_215 = math.tanh %mul3A_214 : vector<64x128xf32>
      %add3A_216 = arith.constant 1.000000e+00 : f32
      %add3A_217 = vector.broadcast %add3A_216 : f32 to vector<64x128xf32>
      %add3A_218 = arith.addf %add3A_217, %tanh3A_215 : vector<64x128xf32>
      %mul3A_219 = arith.constant 5.000000e-01 : f32
      %mul3A_220 = vector.broadcast %mul3A_219 : f32 to vector<64x128xf32>
      %mul3A_221 = arith.mulf %mul3A_220, %add3A_218 : vector<64x128xf32>
      %mul3A_222 = arith.mulf %add3A_205, %mul3A_221 : vector<64x128xf32>
      %convert_element_type3A_223 = arith.truncf %mul3A_222 : vector<64x128xf32> to vector<64x128xbf16>
      %get3A_224 = arith.index_cast %get3A_186 : i32 to index
      %get3A_225 = arith.constant 0 : index
      %get3A_226 = arith.constant 0 : index
      %get3A_227 = vector.load %arg6[%get3A_224, %get3A_225, %get3A_226] : memref<64x128x128xf32, #tpu.memory_space<vmem>>, vector<1x128x128xf32>
      %get3A_228 = vector.shape_cast %get3A_227 : vector<1x128x128xf32> to vector<128x128xf32>
      %convert_element_type3A_229 = arith.truncf %get3A_228 : vector<128x128xf32> to vector<128x128xbf16>
      %dot_general3A_230 = arith.constant dense<0.000000e+00> : vector<64x128xf32>
      %dot_general3A_231 = tpu.matmul %convert_element_type3A_223, %convert_element_type3A_229, %dot_general3A_230 {dimension_numbers = #tpu.dot_dimension_numbers<[1], [0], [0], [1], [0, 0, 1, 1], [], []>, transpose_lhs_hint = false} : vector<64x128xbf16>, vector<128x128xbf16>, vector<64x128xf32> -> vector<64x128xf32>
      %get3A_232 = arith.index_cast %get3A_186 : i32 to index
      %get3A_233 = arith.constant 0 : index
      %get3A_234 = arith.constant 0 : index
      %get3A_235 = vector.load %arg7[%get3A_232, %get3A_233, %get3A_234] : memref<64x1x128xf32, #tpu.memory_space<vmem>>, vector<1x1x128xf32>
      %get3A_236 = vector.shape_cast %get3A_235 : vector<1x1x128xf32> to vector<1x128xf32>
      %add3A_237 = vector.broadcast %get3A_236 : vector<1x128xf32> to vector<64x128xf32>
      %add3A_238 = arith.addf %dot_general3A_231, %add3A_237 : vector<64x128xf32>
      %swap3A_239 = arith.constant 192 : index
      %swap3A_240 = arith.constant 0 : index
      %swap3A_241 = vector.load %arg8[%swap3A_239, %swap3A_240] : memref<256x128xf32, #tpu.memory_space<vmem>>, vector<64x128xf32>
      tpu.vector_store %arg8[%swap3A_239, %swap3A_240], %add3A_238 {strides = array<i32>} : memref<256x128xf32, #tpu.memory_space<vmem>>, vector<64x128xf32>,
    } else {
    }
    return
  }
  func.func @transform_0(%arg0: i32, %arg1: memref<127xi32, #tpu.memory_space<smem>>, %arg2: memref<1xi32, #tpu.memory_space<smem>>) -> (i32, i32) {
    %c0_i32 = arith.constant 0 : i32
    %c0_i32_0 = arith.constant 0 : i32
    return %arg0, %c0_i32 : i32, i32
  }
  func.func @transform_1(%arg0: i32, %arg1: memref<127xi32, #tpu.memory_space<smem>>, %arg2: memref<1xi32, #tpu.memory_space<smem>>) -> (i32, i32, i32) {
    %c0_i32 = arith.constant 0 : i32
    %c0_i32_0 = arith.constant 0 : i32
    %c0_i32_1 = arith.constant 0 : i32
    %c0_i32_2 = arith.constant 0 : i32
    return %c0_i32, %c0_i32_0, %c0_i32_1 : i32, i32, i32
  }
  func.func @transform_2(%arg0: i32, %arg1: memref<127xi32, #tpu.memory_space<smem>>, %arg2: memref<1xi32, #tpu.memory_space<smem>>) -> (i32, i32, i32) {
    %c0_i32 = arith.constant 0 : i32
    %c0_i32_0 = arith.constant 0 : i32
    %c0_i32_1 = arith.constant 0 : i32
    %c0_i32_2 = arith.constant 0 : i32
    return %c0_i32, %c0_i32_0, %c0_i32_1 : i32, i32, i32
  }
  func.func @transform_3(%arg0: i32, %arg1: memref<127xi32, #tpu.memory_space<smem>>, %arg2: memref<1xi32, #tpu.memory_space<smem>>) -> (i32, i32, i32) {
    %c0_i32 = arith.constant 0 : i32
    %c0_i32_0 = arith.constant 0 : i32
    %c0_i32_1 = arith.constant 0 : i32
    %c0_i32_2 = arith.constant 0 : i32
    return %c0_i32, %c0_i32_0, %c0_i32_1 : i32, i32, i32
  }
  func.func @transform_4(%arg0: i32, %arg1: memref<127xi32, #tpu.memory_space<smem>>, %arg2: memref<1xi32, #tpu.memory_space<smem>>) -> (i32, i32, i32) {
    %c0_i32 = arith.constant 0 : i32
    %c0_i32_0 = arith.constant 0 : i32
    %c0_i32_1 = arith.constant 0 : i32
    %c0_i32_2 = arith.constant 0 : i32
    return %c0_i32, %c0_i32_0, %c0_i32_1 : i32, i32, i32
  }
  func.func @transform_5(%arg0: i32, %arg1: memref<127xi32, #tpu.memory_space<smem>>, %arg2: memref<1xi32, #tpu.memory_space<smem>>) -> (i32, i32) {
    %c0_i32 = arith.constant 0 : i32
    %c0_i32_0 = arith.constant 0 : i32
    return %arg0, %c0_i32 : i32, i32
  }
}

</mosaic_0001>

<sc_bundles>
// kernel: kernel.10.cloned.1.call-start
scs
__scs_entry_jumppad:
0x0: {  	(pc) =	sbr.rel $0x88, $3  }
0x1: {  	(tag) =	ssettag $0x0;
	lr =	simm.s32 $0x1  }
0x2: {  	[smem:$0x3F96] =	sst lr;
	_ =	strace $0xD0000000  }
0x3: {  	_ = 	snop  }
0x4: {  	_ = 	snop  }
0x5: {  	_ = 	snop  }
0x6: {  	_ = 	snop  }
0x7: {  	_ = 	snop  }
__scs_overlays_trampoline_lowered:
0x8: {  	[smem:$0x3FA5] =	sst s0  }
0x9: {  	[smem:$0x3FA6] =	sst s1  }
0xa: {  	[smem:$0x3FA7] =	sst s2  }
0xb: {  	[smem:$0x3FA8] =	sst s3  }
0xc: {  	[smem:$0x3FA9] =	sst s4  }
0xd: {  	[smem:$0x3FAA] =	sst s5  }
0xe: {  	[smem:$0x3FAB] =	sst s6  }
0xf: {  	[smem:$0x3FAC] =	sst s7  }
0x10: {  	[smem:$0x3FAD] =	sst s8  }
0x11: {  	[smem:$0x3FAE] =	sst s9;
	s0 =	simm.s32 @!p0 $0x0  }
0x12: {  	s1 =	sld [smem:$0x3F94];
	s0 =	simm.s32 @p0 $0x1  }
0x13: {  	[smem:$0x3FAF] =	sst s0;
	s0 =	simm.s32 @!p1 $0x0  }
0x14: {  	s2 =	sld [smem:$0x3F93];
	s0 =	simm.s32 @p1 $0x1  }
0x15: {  	[smem:$0x3FB0] =	sst s0;
	s0 =	simm.s32 @!p2 $0x0  }
0x16: {  	s3 =	sld [smem:$0x3FDB];
	s0 =	simm.s32 @p2 $0x1  }
0x17: {  	s4 =	simm.s32 $0x1BF5;
	[smem:$0x3FB2] =	sst s0  }
0x18: {  	s0 =	sld [smem:$0x3F95];
	_ =	swait.ge [sflag:s4], $0x0  }
0x19: {  	s7 =	sld [smem:$0x3F96]  }
0x1a: {  	s8 =	sadd.s32 $0xFFFFE003, lr  }
0x1b: {  	s9 =	sadd.s32 $0xFFFFFEF7, lr;
	s5 =	simm.s32 $0xFFFFFFFF;
	p2 =	slt.u32 s8, $0xFFFFF086  }
0x1c: {  	p1 =	slt.u32 s9, $0xF7A;
	s5 =	simm.s32 @!p2 $0x0  }
0x1d: {  	s5 =	simm.s32 @p1 $0x1;
	p0 =	seq.s32 s7, s2  }
0x1e: {  	s7 =	smul.u32 @!p0 $0xF7A, s2;
	p2 =	seq.s32 @!p0 s5, $0x0  }
0x1f: {  	s9 =	smul.u32 $0xF7A, s1;
	s8 =	simm.s32 @!p0 $0x1BF5;
	p2 =	por !p2, p0  }
0x20: {  	[sflag:s8] =	ssyncset.s32 @!p0 $0xFFFFF086;
	s6 =	sadd.s32 @!p0 s3, s7;
	s7 =	simm.s32 @!p0 $0x108  }
0x21: {  	s3 =	sadd.s32 s3, s9;
	s6 =	sadd.s32 @!p0 $0x88, s6;
	s7 =	simm.s32 @p2 $0x1082  }
0x22: {  	[simem:s7], [sflag:s8] =	dma.local @!p0 [hbm:s6], $0xF7A  }
0x23: {  	s9 =	sor.u32 $0xD0000000, s2;
	s6 =	simm.s32 $0x108;
	_ =	swait.ge @!p0 [sflag:s8], $0x0  }
0x24: {  	s3 =	sadd.s32 $0x88, s3;
	s6 =	simm.s32 @!p1 $0x1082;
	[sflag:s4] =	ssyncset.s32 $0xFFFFF086  }
0x25: {  	[simem:s6], [sflag:s4] =	dma.local [hbm:s3], $0xF7A  }
0x26: {  	[smem:$0x3F96] =	sst s1;
	(tag) =	ssettag s2;
	_ =	strace s9  }
0x27: {  	s1 =	sld [smem:$0x3FA6]  }
0x28: {  	s2 =	sld [smem:$0x3FA7]  }
0x29: {  	s4 =	sld [smem:$0x3FA9]  }
0x2a: {  	p0 =	seq.s32 s5, $0x0;
	s5 =	sld [smem:$0x3FAA]  }
0x2b: {  	s6 =	sld [smem:$0x3FAB]  }
0x2c: {  	s7 =	sld [smem:$0x3FAC]  }
0x2d: {  	s3 =	simm.s32 $0x108;
	s8 =	sld [smem:$0x3FAD]  }
0x2e: {  	s3 =	simm.s32 @!p0 $0x1082;
	s9 =	sld [smem:$0x3FAE]  }
0x2f: {  	lr =	sadd.s32 s0, s3;
	s0 =	sld [smem:$0x3FA5]  }
0x30: {  	s3 =	sld [smem:$0x3FA8]  }
0x31: {  	[smem:$0x3FB1] =	sst s10  }
0x32: {  	s10 =	sld [smem:$0x3FAF];
	_ =	sdelay $0x3  }
0x33: {  	p0 =	seq.s32 s10, $0x1;
	s10 =	sld [smem:$0x3FB1];
	_ =	sdelay $0x3  }
0x34: {  	[smem:$0x3FB1] =	sst s10  }
0x35: {  	s10 =	sld [smem:$0x3FB0];
	_ =	sdelay $0x3  }
0x36: {  	p1 =	seq.s32 s10, $0x1;
	s10 =	sld [smem:$0x3FB1];
	_ =	sdelay $0x3  }
0x37: {  	[smem:$0x3FB1] =	sst s10  }
0x38: {  	s10 =	sld [smem:$0x3FB2]  }
0x39: {  	_ = 	snop;
	(pc) =	sbr.ind lr, $3  }
0x3a: {  	_ = 	snop  }
0x3b: {  	_ = 	snop  }
0x3c: {  	p2 =	seq.s32 s10, $0x1;
	s10 =	sld [smem:$0x3FB1]  }
0x3d: {  	_ =	shalt  }
0x3e: {  	_ =	shalt  }
0x3f: {  	_ =	shalt  }
0x40: {  	_ =	shalt  }
0x41: {  	_ =	shalt  }
0x42: {  	_ =	shalt  }
0x43: {  	_ =	shalt  }
0x44: {  	_ =	shalt  }
0x45: {  	_ =	shalt  }
0x46: {  	_ =	shalt  }
0x47: {  	_ =	shalt  }
0x48: {  	_ =	shalt  }
0x49: {  	_ =	shalt  }
0x4a: {  	_ =	shalt  }
0x4b: {  	_ =	shalt  }
0x4c: {  	_ =	shalt  }
0x4d: {  	_ =	shalt  }
0x4e: {  	_ =	shalt  }
0x4f: {  	_ =	shalt  }
0x50: {  	_ =	shalt  }
0x51: {  	_ =	shalt  }
0x52: {  	_ =	shalt  }
0x53: {  	_ =	shalt  }
0x54: {  	_ =	shalt  }
0x55: {  	_ =	shalt  }
0x56: {  	_ =	shalt  }
0x57: {  	_ =	shalt  }
0x58: {  	_ =	shalt  }
0x59: {  	_ =	shalt  }
0x5a: {  	_ =	shalt  }
0x5b: {  	_ =	shalt  }
0x5c: {  	_ =	shalt  }
0x5d: {  	_ =	shalt  }
0x5e: {  	_ =	shalt  }
0x5f: {  	_ =	shalt  }
0x60: {  	_ =	shalt  }
0x61: {  	_ =	shalt  }
0x62: {  	_ =	shalt  }
0x63: {  	_ =	shalt  }
0x64: {  	_ =	shalt  }
0x65: {  	_ =	shalt  }
0x66: {  	_ =	shalt  }
0x67: {  	_ =	shalt  }
0x68: {  	_ =	shalt  }
0x69: {  	_ =	shalt  }
0x6a: {  	_ =	shalt  }
0x6b: {  	_ =	shalt  }
0x6c: {  	_ =	shalt  }
0x6d: {  	_ =	shalt  }
0x6e: {  	_ =	shalt  }
0x6f: {  	_ =	shalt  }
0x70: {  	_ =	shalt  }
0x71: {  	_ =	shalt  }
0x72: {  	_ =	shalt  }
0x73: {  	_ =	shalt  }
0x74: {  	_ =	shalt  }
0x75: {  	_ =	shalt  }
0x76: {  	_ =	shalt  }
0x77: {  	_ =	shalt  }
0x78: {  	_ =	shalt  }
0x79: {  	_ =	shalt  }
0x7a: {  	_ =	shalt  }
0x7b: {  	_ =	shalt  }
0x7c: {  	_ =	shalt  }
0x7d: {  	_ =	shalt  }
0x7e: {  	_ =	shalt  }
0x7f: {  	_ =	shalt  }
0x80: {  	_ =	shalt  }
0x81: {  	_ =	shalt  }
0x82: {  	_ =	shalt  }
0x83: {  	_ =	shalt  }
0x84: {  	_ =	shalt  }
0x85: {  	_ =	shalt  }
0x86: {  	_ =	shalt  }
0x87: {  	_ =	shalt  }
.Lfunc_end0:
.L_simem_size_0:
called_computation.1_lowered:
.L_overlay_start_0:
0x88: {  	s2 =	sld [smem:$0x3FD9]  }
0x89: {  	s3 =	sld [smem:$0x3FFE];
	_ =	sdelay $0x1  }
0x8a: {  	s1 =	srdreg.scid  }
0x8b: {  	s0 =	sand.u32 $0x1, s1  }
0x8c: {  	s14 =	sshll.u32 s0, $0xA;
	s2 =	sadd.s32 s3, s2  }
0x8d: {  	s2 =	sadd.s32 s2, s14  }
0x8e: {  	[smem:$0x3FBD] =	sst s2  }
0x8f: {  	_ = 	snop  }
0x90: {  	s2 =	sld [smem:$0x3FD0];
	_ =	sdelay $0x2  }
0x91: {  	s15 =	simm.s32 $0xA;
	s4 =	simm.s32 $0x10  }
0x92: {  	[smem:s4], [sflag:s15] =	dma.local [hbm:s2], $0x1  }
0x93: {  	_ =	swait.eq [sflag:s15], $0x1  }
0x94: {  	[sflag:s15] =	ssyncset.done $0x0  }
0x95: {  	[sflag:s15] =	ssyncadd.s32 $0xFFFFFFFF  }
0x96: {  	s16 =	sld [smem:$0x10];
	(tm) =	ssettm $0x1  }
0x97: {  	s17 =	sld [smem:$0x3FFB];
	_ =	sdelay $0x3  }
0x98: {  	_ =	strace s17  }
0x99: {  	s3 =	sld [smem:$0x3FFC];
	_ =	sdelay $0x3  }
0x9a: {  	_ =	strace s3  }
0x9b: {  	s3 =	sld [smem:$0x3FFD];
	_ =	sdelay $0x3  }
0x9c: {  	_ =	strace s3  }
0x9d: {  	_ =	strace $0x8FFFFFFF  }
0x9e: {  	s18 =	sld [smem:$0x3FDB];
	_ =	sdelay $0x1  }
0x9f: {  	s19 =	simm.s32 $_scs_section_size  }
0xa0: {  	s5 =	simm.s32 $_size__tile_overlayer_lowered;
	s6 =	simm.s32 $_tile_overlayer_lowered  }
0xa1: {  	s22 =	simm.s32 $0x1BFF;
	s21 =	sshll.u32 s6, $0x1;
	s3 =	sadd.s32 s19, s18  }
0xa2: {  	s7 =	simm.s32 $0x0;
	s20 =	sshll.u32 s5, $0x1;
	s5 =	sadd.s32 s21, s3  }
0xa3: {  	[timem:s7], [sflag:s22] =	dma.local [hbm:s5], s20  }
0xa4: {  	_ =	swait.ge [sflag:s22], s20  }
0xa5: {  	s4 =	ssub.s32 $0x0, s20;
	[sflag:s22] =	ssyncset.done $0x0  }
0xa6: {  	[sflag:s22] =	ssyncadd.s32 s4;
	_ =	sdelay $0x1  }
0xa7: {  	s23 =	simm.s32 $0x1B8B  }
0xa8: {  	_ =	swait.ge [sflag:s23], $0x1  }
0xa9: {  	[sflag:s23] =	ssyncset.done $0x0  }
0xaa: {  	s25 =	simm.s32 $0x1B8E;
	s24 =	sld [smem:$0x3FFE];
	[sflag:s23] =	ssyncadd.s32 $0xFFFFFFFF  }
0xab: {  	s26 =	simm.s32 $execute0_lowered;
	[smem:$0x3FD2] =	sst s25  }
0xac: {  	s5 =	sshll.u32 s26, $0x1;
	_ =	strace $0x8000004D;
	[dreg:$0x1] =	wrdreg $0xFFFFFFFF  }
0xad: {  	s28 =	simm.s32 $_size_execute0_lowered;
	s3 =	sadd.s32 s3, s5;
	[dreg:$0x0] =	wrdreg $0x0  }
0xae: {  	s5 =	sshll.u32 s28, $0x1;
	[dreg:$0x2] =	wrdreg s3  }
0xaf: {  	[dreg:$0x3] =	wrdreg s5  }
0xb0: {  	[dreg:$0x4] =	wrdreg $0xC0  }
0xb1: {  	_ =	task [dreg:s7], $0x5FFFF  }
0xb2: {  	[dreg:$0x1] =	wrdreg $0xFFFFFFFF  }
0xb3: {  	[dreg:$0x0] =	wrdreg $0x60  }
0xb4: {  	[dreg:$0x2] =	wrdreg s16  }
0xb5: {  	[dreg:$0x3] =	wrdreg s24  }
0xb6: {  	[dreg:$0x4] =	wrdreg $0x9  }
0xb7: {  	_ =	task.clear_ibuf [dreg:s7], $0x5FFFF;
	_ =	strace $0x9000004D  }
0xb8: {  	s29 =	simm.s32 $0x9;
	_ =	strace $0x80000054  }
0xb9: {  	_ =	swait.ge [sflag:s29], $0x1  }
0xba: {  	[sflag:s29] =	ssyncadd.s32 $0xFFFFFFFF  }
0xbb: {  	_ =	strace $0x90000054  }
0xbc: {  	_ =	sfence  }
0xbd: {  	s30 =	sld [smem:$0x0];
	_ =	sdelay $0x2  }
0xbe: {  	s31 =	sshll.u32 s1, $0xD;
	s1 =	sshrl.u32 s1, $0x2  }
0xbf: {  	s3 =	sand.u32 $0x4000, s31;
	s1 =	sadd.s32 s1, s30  }
0xc0: {  	s0 =	sor.u32 s3, s0;
	s1 =	sshll.u32 s1, $0x11  }
0xc1: {  	s0 =	sor.u32 s1, s0  }
0xc2: {  	s0 =	sadd.s32 $0x8F2B, s0  }
0xc3: {  	[sflag:s0] =	ssyncadd.remote.s32 $0x1  }
0xc4: {  	_ =	sfence.sel $0xFFFF  }
0xc5: {  	[dreg:$0x0] =	wrdreg $0xFFFFFFFF;
	(pc) =	sbr.abs _section_cstart, $3  }
0xc6: {  	[dreg:$0x1] =	wrdreg $0xFFFFFFFF  }
0xc7: {  	_ =	task.clear_ibuf [dreg:s7], $0x2FFFF;
	_ =	strace $0x9FFFFFFF  }
0xc8: {  	(tm) =	ssettm $0x7FFFFFFF  }
0xc9: {  	_ =	shalt  }
tec
execute0_lowered:
.L_overlay_start_1:
0x0: {  	(tag) =	ssettag $0x1  }
0x1: {  	s1 =	srdreg.scid  }
0x2: {  	s0 =	stileid.u32;
	s9 =	sand.u32 $0x1, s1  }
0x3: {  	s2 =	rddreg [dreg:$0x0];
	s5 =	sshll.u32 s0, $0x7;
	s4 =	sshll.u32 s9, $0xB  }
0x4: {  	s10 =	rddreg [dreg:$0x1];
	s3 =	simm.s32 $0x0;
	s11 =	sor.u32 s5, s4  }
0x5: {  	[smem:$0x7FF] =	sst s3;
	s4 =	sshrl.u32 s11, $0x3  }
0x6: {  	s1 =	rddreg [dreg:$0x2];
	_ =	strace $0x8000004E;
	s4 =	sadd.s32 s4, s10  }
0x7: {  	_ =	strace $0x8000004F;
	s4 =	sadd.s32 $0x9800, s4  }
0x8: {  	[tilespmem:s3], [sflag:$0x1] =	stream.linear.gather [hbm4b:s4+s3], $0x80, $0x200038;
	[tilespmem:$0x8100] =	vst v63  }
0x9: {  	_ =	strace $0x9000004F  }
0xa: {  	s5 =	simm.s32 $0x1;
	_ =	strace $0x80000050  }
0xb: {  	_ =	swait.ge [sflag:s5], $0x80  }
0xc: {  	[sflag:s5] =	ssyncset.done $0x0  }
0xd: {  	[sflag:s5] =	ssyncadd.s32 $0xFFFFFF80  }
0xe: {  	s6 =	simm.s32 $0x80;
	_ =	strace $0x90000050  }
0xf: {  	s7 =	simm.s32 $0x100;
	s8 =	simm.s32 $0x5;
	_ =	strace $0x80000051  }
0x10: {  	[tilespmem:s7], [sflag:$0x5] =	stream.indirect.gather [hbm4b:s2+s6], $0x80, s3, s6, $0x2000b8;
	[tilespmem:$0x8100] =	vst v63  }
0x11: {  	s30 =	ssub.s32 $0x2, s9;
	_ =	swait.ge [sflag:s8], $0x4000  }
0x12: {  	s31 =	sshrl.u32 s30, $0x1;
	s11 =	sshll.u32 s11, $0x4;
	[sflag:s8] =	ssyncset.done $0x0  }
0x13: {  	s10 =	sadd.s32 s11, s10;
	s11 =	ssub.s32 s30, s31;
	[sflag:s8] =	ssyncadd.s32 $0xFFFFC000  }
0x14: {  	s11 =	smax.u32 s11, $0x1;
	_ =	strace $0x90000051  }
0x15: {  	s9 =	sadd.s32 $0x9A00, s10;
	p0 =	sne.s32 s11, $0x1;
	_ =	strace $0x80000052  }
0x16: {  	[hbm4b:s9+s3] =	stream.linear.scatter [tilespmem:s7], [sflag:$0x3], $0x4000, $0x200038;
	[tilespmem:$0x8100] =	vst v63  }
.Ltmp0:
0x17: {  	_ =	strace $0x90000052;
	(pc) =	sbr.rel @!p0 .LBB2_2-.Ltmp0, $4  }
0x18: {  	s10 =	simm.s32 $0x3;
	_ =	strace $0x80000053  }
0x19: {  	_ =	swait.ge [sflag:s10], $0x4000  }
0x1a: {  	[sflag:s10] =	ssyncset.done $0x0  }
0x1b: {  	s11 =	sadd.s32 $0xFFFFFFFF, s11;
	[sflag:s10] =	ssyncadd.s32 $0xFFFFC000  }
.LBB2_1:
0x1c: {  	p0 =	sne.s32 s11, $0x1;
	s11 =	sadd.s32 $0xFFFFFFFF, s11;
	_ =	strace $0x90000053  }
0x1d: {  	_ =	strace $0x8000004F  }
0x1e: {  	[tilespmem:s3], [sflag:$0x1] =	stream.linear.gather [hbm4b:s4+s3], $0x80, $0x200038;
	[tilespmem:$0x8100] =	vst v63  }
0x1f: {  	_ =	strace $0x9000004F  }
0x20: {  	_ =	strace $0x80000050  }
0x21: {  	_ =	swait.ge [sflag:s5], $0x80  }
0x22: {  	[sflag:s5] =	ssyncset.done $0x0  }
0x23: {  	[sflag:s5] =	ssyncadd.s32 $0xFFFFFF80  }
0x24: {  	_ =	strace $0x90000050  }
0x25: {  	_ =	strace $0x80000051  }
0x26: {  	[tilespmem:s7], [sflag:$0x5] =	stream.indirect.gather [hbm4b:s2+s6], $0x80, s3, s6, $0x2000b8;
	[tilespmem:$0x8100] =	vst v63  }
0x27: {  	_ =	swait.ge [sflag:s8], $0x4000  }
0x28: {  	[sflag:s8] =	ssyncset.done $0x0  }
0x29: {  	[sflag:s8] =	ssyncadd.s32 $0xFFFFC000  }
0x2a: {  	_ =	strace $0x90000051  }
0x2b: {  	_ =	strace $0x80000052  }
0x2c: {  	[hbm4b:s9+s3] =	stream.linear.scatter [tilespmem:s7], [sflag:$0x3], $0x4000, $0x200038;
	[tilespmem:$0x8100] =	vst v63  }
.Ltmp1:
0x2d: {  	_ =	strace $0x90000052;
	(pc) =	sbr.rel @p0 .LBB2_1-.Ltmp1, $4  }
0x2e: {  	_ =	strace $0x80000053  }
0x2f: {  	_ =	swait.ge [sflag:s10], $0x4000  }
0x30: {  	[sflag:s10] =	ssyncset.done $0x0  }
0x31: {  	[sflag:s10] =	ssyncadd.s32 $0xFFFFC000  }
.LBB2_2:
0x32: {  	_ =	strace $0x90000053  }
0x33: {  	_ =	sfence.sel $0x180000  }
0x34: {  	[bflag:$0x0] =	sbarrier.arrive $0xFFFF  }
0x35: {  	p0 =	sne.s32 s0, $0x0;
	_ =	strace $0x9000004E  }
0x36: {  	s0 =	sadd.s32 @!p0 $0x100000, s1;
	[bflag:$0x2] =	sbarrier.arrive $0xFFFF  }
0x37: {  	[sflag:s0] =	ssyncadd.tile.s32 @!p0 $0x1;
	_ =	shalt  }
.Lfunc_end2:
_tile_overlayer_lowered:
.L_overlay_start_2:
0x38: {  	(tag) =	ssettag $0x2  }
0x39: {  	s0 =	rddreg [dreg:$0x0];
	s2 =	stileid.u32  }
0x3a: {  	s1 =	rddreg [dreg:$0x1];
	p0 =	sne.s32 s2, $0x0  }
0x3b: {  	s3 =	rddreg [dreg:$0x2];
	[bflag:$0x3] =	sbarrier.arrive $0xFFFF;
	s2 =	simm.s32 @!p0 $0x1C01  }
0x3c: {  	[timem:s3], [sflag:s2] =	dma.local @!p0 [hbm:s0], s1  }
0x3d: {  	s0 =	simm.s32 @!p0 $0x1  }
0x3e: {  	_ =	swait.ge @!p0 [sflag:s0], s1  }
0x3f: {  	s1 =	ssub.s32 @!p0 $0x0, s1;
	[sflag:s0] =	ssyncset.done @!p0 $0x0  }
0x40: {  	[sflag:s0] =	ssyncadd.s32 @!p0 s1  }
0x41: {  	[bflag:$0x3] =	sbarrier.arrive $0xFFFF  }
0x42: {  	_ =	shalt  }

// kernel: kernel.7.cloned.1.call-start
scs
__scs_entry_jumppad:
0x0: {  	(pc) =	sbr.rel $0x88, $3  }
0x1: {  	(tag) =	ssettag $0x0;
	lr =	simm.s32 $0x1  }
0x2: {  	[smem:$0x3F96] =	sst lr;
	_ =	strace $0xD0000000  }
0x3: {  	_ = 	snop  }
0x4: {  	_ = 	snop  }
0x5: {  	_ = 	snop  }
0x6: {  	_ = 	snop  }
0x7: {  	_ = 	snop  }
__scs_overlays_trampoline_lowered:
0x8: {  	[smem:$0x3FA5] =	sst s0  }
0x9: {  	[smem:$0x3FA6] =	sst s1  }
0xa: {  	[smem:$0x3FA7] =	sst s2  }
0xb: {  	[smem:$0x3FA8] =	sst s3  }
0xc: {  	[smem:$0x3FA9] =	sst s4  }
0xd: {  	[smem:$0x3FAA] =	sst s5  }
0xe: {  	[smem:$0x3FAB] =	sst s6  }
0xf: {  	[smem:$0x3FAC] =	sst s7  }
0x10: {  	[smem:$0x3FAD] =	sst s8  }
0x11: {  	[smem:$0x3FAE] =	sst s9;
	s0 =	simm.s32 @!p0 $0x0  }
0x12: {  	s1 =	sld [smem:$0x3F94];
	s0 =	simm.s32 @p0 $0x1  }
0x13: {  	[smem:$0x3FAF] =	sst s0;
	s0 =	simm.s32 @!p1 $0x0  }
0x14: {  	s2 =	sld [smem:$0x3F93];
	s0 =	simm.s32 @p1 $0x1  }
0x15: {  	[smem:$0x3FB0] =	sst s0;
	s0 =	simm.s32 @!p2 $0x0  }
0x16: {  	s3 =	sld [smem:$0x3FDB];
	s0 =	simm.s32 @p2 $0x1  }
0x17: {  	s4 =	simm.s32 $0x1BF5;
	[smem:$0x3FB2] =	sst s0  }
0x18: {  	s0 =	sld [smem:$0x3F95];
	_ =	swait.ge [sflag:s4], $0x0  }
0x19: {  	s7 =	sld [smem:$0x3F96]  }
0x1a: {  	s8 =	sadd.s32 $0xFFFFE003, lr  }
0x1b: {  	s9 =	sadd.s32 $0xFFFFFEF7, lr;
	s5 =	simm.s32 $0xFFFFFFFF;
	p2 =	slt.u32 s8, $0xFFFFF086  }
0x1c: {  	p1 =	slt.u32 s9, $0xF7A;
	s5 =	simm.s32 @!p2 $0x0  }
0x1d: {  	s5 =	simm.s32 @p1 $0x1;
	p0 =	seq.s32 s7, s2  }
0x1e: {  	s7 =	smul.u32 @!p0 $0xF7A, s2;
	p2 =	seq.s32 @!p0 s5, $0x0  }
0x1f: {  	s9 =	smul.u32 $0xF7A, s1;
	s8 =	simm.s32 @!p0 $0x1BF5;
	p2 =	por !p2, p0  }
0x20: {  	[sflag:s8] =	ssyncset.s32 @!p0 $0xFFFFF086;
	s6 =	sadd.s32 @!p0 s3, s7;
	s7 =	simm.s32 @!p0 $0x108  }
0x21: {  	s3 =	sadd.s32 s3, s9;
	s6 =	sadd.s32 @!p0 $0x88, s6;
	s7 =	simm.s32 @p2 $0x1082  }
0x22: {  	[simem:s7], [sflag:s8] =	dma.local @!p0 [hbm:s6], $0xF7A  }
0x23: {  	s9 =	sor.u32 $0xD0000000, s2;
	s6 =	simm.s32 $0x108;
	_ =	swait.ge @!p0 [sflag:s8], $0x0  }
0x24: {  	s3 =	sadd.s32 $0x88, s3;
	s6 =	simm.s32 @!p1 $0x1082;
	[sflag:s4] =	ssyncset.s32 $0xFFFFF086  }
0x25: {  	[simem:s6], [sflag:s4] =	dma.local [hbm:s3], $0xF7A  }
0x26: {  	[smem:$0x3F96] =	sst s1;
	(tag) =	ssettag s2;
	_ =	strace s9  }
0x27: {  	s1 =	sld [smem:$0x3FA6]  }
0x28: {  	s2 =	sld [smem:$0x3FA7]  }
0x29: {  	s4 =	sld [smem:$0x3FA9]  }
0x2a: {  	p0 =	seq.s32 s5, $0x0;
	s5 =	sld [smem:$0x3FAA]  }
0x2b: {  	s6 =	sld [smem:$0x3FAB]  }
0x2c: {  	s7 =	sld [smem:$0x3FAC]  }
0x2d: {  	s3 =	simm.s32 $0x108;
	s8 =	sld [smem:$0x3FAD]  }
0x2e: {  	s3 =	simm.s32 @!p0 $0x1082;
	s9 =	sld [smem:$0x3FAE]  }
0x2f: {  	lr =	sadd.s32 s0, s3;
	s0 =	sld [smem:$0x3FA5]  }
0x30: {  	s3 =	sld [smem:$0x3FA8]  }
0x31: {  	[smem:$0x3FB1] =	sst s10  }
0x32: {  	s10 =	sld [smem:$0x3FAF];
	_ =	sdelay $0x3  }
0x33: {  	p0 =	seq.s32 s10, $0x1;
	s10 =	sld [smem:$0x3FB1];
	_ =	sdelay $0x3  }
0x34: {  	[smem:$0x3FB1] =	sst s10  }
0x35: {  	s10 =	sld [smem:$0x3FB0];
	_ =	sdelay $0x3  }
0x36: {  	p1 =	seq.s32 s10, $0x1;
	s10 =	sld [smem:$0x3FB1];
	_ =	sdelay $0x3  }
0x37: {  	[smem:$0x3FB1] =	sst s10  }
0x38: {  	s10 =	sld [smem:$0x3FB2]  }
0x39: {  	_ = 	snop;
	(pc) =	sbr.ind lr, $3  }
0x3a: {  	_ = 	snop  }
0x3b: {  	_ = 	snop  }
0x3c: {  	p2 =	seq.s32 s10, $0x1;
	s10 =	sld [smem:$0x3FB1]  }
0x3d: {  	_ =	shalt  }
0x3e: {  	_ =	shalt  }
0x3f: {  	_ =	shalt  }
0x40: {  	_ =	shalt  }
0x41: {  	_ =	shalt  }
0x42: {  	_ =	shalt  }
0x43: {  	_ =	shalt  }
0x44: {  	_ =	shalt  }
0x45: {  	_ =	shalt  }
0x46: {  	_ =	shalt  }
0x47: {  	_ =	shalt  }
0x48: {  	_ =	shalt  }
0x49: {  	_ =	shalt  }
0x4a: {  	_ =	shalt  }
0x4b: {  	_ =	shalt  }
0x4c: {  	_ =	shalt  }
0x4d: {  	_ =	shalt  }
0x4e: {  	_ =	shalt  }
0x4f: {  	_ =	shalt  }
0x50: {  	_ =	shalt  }
0x51: {  	_ =	shalt  }
0x52: {  	_ =	shalt  }
0x53: {  	_ =	shalt  }
0x54: {  	_ =	shalt  }
0x55: {  	_ =	shalt  }
0x56: {  	_ =	shalt  }
0x57: {  	_ =	shalt  }
0x58: {  	_ =	shalt  }
0x59: {  	_ =	shalt  }
0x5a: {  	_ =	shalt  }
0x5b: {  	_ =	shalt  }
0x5c: {  	_ =	shalt  }
0x5d: {  	_ =	shalt  }
0x5e: {  	_ =	shalt  }
0x5f: {  	_ =	shalt  }
0x60: {  	_ =	shalt  }
0x61: {  	_ =	shalt  }
0x62: {  	_ =	shalt  }
0x63: {  	_ =	shalt  }
0x64: {  	_ =	shalt  }
0x65: {  	_ =	shalt  }
0x66: {  	_ =	shalt  }
0x67: {  	_ =	shalt  }
0x68: {  	_ =	shalt  }
0x69: {  	_ =	shalt  }
0x6a: {  	_ =	shalt  }
0x6b: {  	_ =	shalt  }
0x6c: {  	_ =	shalt  }
0x6d: {  	_ =	shalt  }
0x6e: {  	_ =	shalt  }
0x6f: {  	_ =	shalt  }
0x70: {  	_ =	shalt  }
0x71: {  	_ =	shalt  }
0x72: {  	_ =	shalt  }
0x73: {  	_ =	shalt  }
0x74: {  	_ =	shalt  }
0x75: {  	_ =	shalt  }
0x76: {  	_ =	shalt  }
0x77: {  	_ =	shalt  }
0x78: {  	_ =	shalt  }
0x79: {  	_ =	shalt  }
0x7a: {  	_ =	shalt  }
0x7b: {  	_ =	shalt  }
0x7c: {  	_ =	shalt  }
0x7d: {  	_ =	shalt  }
0x7e: {  	_ =	shalt  }
0x7f: {  	_ =	shalt  }
0x80: {  	_ =	shalt  }
0x81: {  	_ =	shalt  }
0x82: {  	_ =	shalt  }
0x83: {  	_ =	shalt  }
0x84: {  	_ =	shalt  }
0x85: {  	_ =	shalt  }
0x86: {  	_ =	shalt  }
0x87: {  	_ =	shalt  }
.Lfunc_end0:
.L_simem_size_0:
called_computation_lowered:
.L_overlay_start_0:
0x88: {  	s2 =	sld [smem:$0x3FD9]  }
0x89: {  	s3 =	sld [smem:$0x3FFE];
	_ =	sdelay $0x1  }
0x8a: {  	s1 =	srdreg.scid  }
0x8b: {  	s0 =	sand.u32 $0x1, s1  }
0x8c: {  	s14 =	sshll.u32 s0, $0xA;
	s2 =	sadd.s32 s3, s2  }
0x8d: {  	s2 =	sadd.s32 s2, s14  }
0x8e: {  	[smem:$0x3FBD] =	sst s2  }
0x8f: {  	_ = 	snop  }
0x90: {  	s2 =	sld [smem:$0x3FD0];
	_ =	sdelay $0x2  }
0x91: {  	s15 =	simm.s32 $0xA;
	s4 =	simm.s32 $0x10  }
0x92: {  	[smem:s4], [sflag:s15] =	dma.local [hbm:s2], $0x1  }
0x93: {  	_ =	swait.eq [sflag:s15], $0x1  }
0x94: {  	[sflag:s15] =	ssyncset.done $0x0  }
0x95: {  	[sflag:s15] =	ssyncadd.s32 $0xFFFFFFFF  }
0x96: {  	s16 =	sld [smem:$0x10];
	(tm) =	ssettm $0x1  }
0x97: {  	s17 =	sld [smem:$0x3FFB];
	_ =	sdelay $0x3  }
0x98: {  	_ =	strace s17  }
0x99: {  	s3 =	sld [smem:$0x3FFC];
	_ =	sdelay $0x3  }
0x9a: {  	_ =	strace s3  }
0x9b: {  	s3 =	sld [smem:$0x3FFD];
	_ =	sdelay $0x3  }
0x9c: {  	_ =	strace s3  }
0x9d: {  	_ =	strace $0x8FFFFFFF  }
0x9e: {  	s18 =	sld [smem:$0x3FDB];
	_ =	sdelay $0x1  }
0x9f: {  	s19 =	simm.s32 $_scs_section_size  }
0xa0: {  	s5 =	simm.s32 $_size__tile_overlayer_lowered;
	s6 =	simm.s32 $_tile_overlayer_lowered  }
0xa1: {  	s22 =	simm.s32 $0x1BFF;
	s21 =	sshll.u32 s6, $0x1;
	s3 =	sadd.s32 s19, s18  }
0xa2: {  	s7 =	simm.s32 $0x0;
	s20 =	sshll.u32 s5, $0x1;
	s5 =	sadd.s32 s21, s3  }
0xa3: {  	[timem:s7], [sflag:s22] =	dma.local [hbm:s5], s20  }
0xa4: {  	_ =	swait.ge [sflag:s22], s20  }
0xa5: {  	s4 =	ssub.s32 $0x0, s20;
	[sflag:s22] =	ssyncset.done $0x0  }
0xa6: {  	[sflag:s22] =	ssyncadd.s32 s4;
	_ =	sdelay $0x1  }
0xa7: {  	s23 =	simm.s32 $0x1B8B  }
0xa8: {  	_ =	swait.ge [sflag:s23], $0x1  }
0xa9: {  	[sflag:s23] =	ssyncset.done $0x0  }
0xaa: {  	s25 =	simm.s32 $0x1B8E;
	s24 =	sld [smem:$0x3FFE];
	[sflag:s23] =	ssyncadd.s32 $0xFFFFFFFF  }
0xab: {  	s26 =	simm.s32 $execute0_lowered;
	[smem:$0x3FD2] =	sst s25  }
0xac: {  	s5 =	sshll.u32 s26, $0x1;
	_ =	strace $0x80000046;
	[dreg:$0x1] =	wrdreg $0xFFFFFFFF  }
0xad: {  	s28 =	simm.s32 $_size_execute0_lowered;
	s3 =	sadd.s32 s3, s5;
	[dreg:$0x0] =	wrdreg $0x0  }
0xae: {  	s5 =	sshll.u32 s28, $0x1;
	[dreg:$0x2] =	wrdreg s3  }
0xaf: {  	[dreg:$0x3] =	wrdreg s5  }
0xb0: {  	[dreg:$0x4] =	wrdreg $0xC0  }
0xb1: {  	_ =	task [dreg:s7], $0x5FFFF  }
0xb2: {  	[dreg:$0x1] =	wrdreg $0xFFFFFFFF  }
0xb3: {  	[dreg:$0x0] =	wrdreg $0x60  }
0xb4: {  	[dreg:$0x2] =	wrdreg s24  }
0xb5: {  	[dreg:$0x3] =	wrdreg s16  }
0xb6: {  	[dreg:$0x4] =	wrdreg $0x9  }
0xb7: {  	_ =	task.clear_ibuf [dreg:s7], $0x5FFFF;
	_ =	strace $0x90000046  }
0xb8: {  	s29 =	simm.s32 $0x9;
	_ =	strace $0x8000004C  }
0xb9: {  	_ =	swait.ge [sflag:s29], $0x1  }
0xba: {  	[sflag:s29] =	ssyncadd.s32 $0xFFFFFFFF  }
0xbb: {  	_ =	strace $0x9000004C  }
0xbc: {  	_ =	sfence  }
0xbd: {  	s30 =	sld [smem:$0x0];
	_ =	sdelay $0x2  }
0xbe: {  	s31 =	sshll.u32 s1, $0xD;
	s1 =	sshrl.u32 s1, $0x2  }
0xbf: {  	s3 =	sand.u32 $0x4000, s31;
	s1 =	sadd.s32 s1, s30  }
0xc0: {  	s0 =	sor.u32 s3, s0;
	s1 =	sshll.u32 s1, $0x11  }
0xc1: {  	s0 =	sor.u32 s1, s0  }
0xc2: {  	s0 =	sadd.s32 $0x8F2B, s0  }
0xc3: {  	[sflag:s0] =	ssyncadd.remote.s32 $0x1  }
0xc4: {  	_ =	sfence.sel $0xFFFF  }
0xc5: {  	[dreg:$0x0] =	wrdreg $0xFFFFFFFF;
	(pc) =	sbr.abs _section_cstart, $3  }
0xc6: {  	[dreg:$0x1] =	wrdreg $0xFFFFFFFF  }
0xc7: {  	_ =	task.clear_ibuf [dreg:s7], $0x2FFFF;
	_ =	strace $0x9FFFFFFF  }
0xc8: {  	(tm) =	ssettm $0x7FFFFFFF  }
0xc9: {  	_ =	shalt  }
tec
execute0_lowered:
.L_overlay_start_1:
0x0: {  	(tag) =	ssettag $0x1  }
0x1: {  	s4 =	rddreg [dreg:$0x0]  }
0x2: {  	s2 =	rddreg [dreg:$0x1]  }
0x3: {  	s0 =	rddreg [dreg:$0x2];
	s3 =	simm.s32 $0x0;
	s1 =	stileid.u32  }
0x4: {  	s5 =	srdreg.scid;
	[smem:$0x7FF] =	sst s3;
	s6 =	sshll.u32 s1, $0xB  }
0x5: {  	s7 =	sshll.u32 s1, $0x4;
	s9 =	sand.u32 $0x1, s5;
	_ =	strace $0x80000047  }
0x6: {  	s28 =	sadd.s32 s6, s4;
	s29 =	sadd.s32 s7, s4;
	s30 =	sshll.u32 s9, $0x8  }
0x7: {  	s4 =	sadd.s32 $0x1800, s28;
	s31 =	sadd.s32 s30, s29;
	_ =	strace $0x80000048  }
0x8: {  	[tilespmem:s3], [sflag:$0x1] =	stream.linear.gather [hbm4b:s4+s3], $0x4000, $0x200038;
	[tilespmem:$0x8100] =	vst v63  }
0x9: {  	s6 =	simm.s32 $0x8000;
	s5 =	sadd.s32 $0x9800, s31  }
0xa: {  	[tilespmem:s6], [sflag:$0x3] =	stream.linear.gather [hbm4b:s5+s3], $0x80, $0x200038;
	[tilespmem:$0x8100] =	vst v63  }
0xb: {  	_ =	strace $0x90000048  }
0xc: {  	s7 =	simm.s32 $0x1;
	_ =	strace $0x80000049  }
0xd: {  	_ =	swait.ge [sflag:s7], $0x4000  }
0xe: {  	[sflag:s7] =	ssyncset.done $0x0  }
0xf: {  	[sflag:s7] =	ssyncadd.s32 $0xFFFFC000  }
0x10: {  	_ =	strace $0x90000049  }
0x11: {  	s8 =	simm.s32 $0x3;
	s9 =	ssub.s32 $0x2, s9;
	_ =	strace $0x8000004A  }
0x12: {  	s10 =	sshrl.u32 s9, $0x1;
	_ =	swait.ge [sflag:s8], $0x80  }
0x13: {  	s11 =	ssub.s32 s9, s10;
	[sflag:s8] =	ssyncset.done $0x0  }
0x14: {  	s11 =	smax.u32 s11, $0x1;
	[sflag:s8] =	ssyncadd.s32 $0xFFFFFF80  }
0x15: {  	s9 =	simm.s32 $0x80;
	p0 =	sne.s32 s11, $0x1;
	_ =	strace $0x9000004A  }
.Ltmp0:
0x16: {  	s10 =	simm.s32 $0x5;
	_ =	strace $0x8000004B;
	(pc) =	sbr.rel @!p0 .LBB2_2-.Ltmp0, $4  }
0x17: {  	[hbm4b:s2+s9] =	stream.indirect.scatter [tilespmem:s3], [sflag:$0x5], $0x80, s6, s9, $0x2000b8;
	[tilespmem:$0x8100] =	vst v63  }
0x18: {  	_ =	swait.ge [sflag:s10], $0x4000  }
0x19: {  	[sflag:s10] =	ssyncset.done $0x0  }
0x1a: {  	s11 =	sadd.s32 $0xFFFFFFFF, s11;
	[sflag:s10] =	ssyncadd.s32 $0xFFFFC000  }
.LBB2_1:
0x1b: {  	p0 =	sne.s32 s11, $0x1;
	s11 =	sadd.s32 $0xFFFFFFFF, s11;
	_ =	strace $0x9000004B  }
0x1c: {  	_ =	strace $0x80000048  }
0x1d: {  	[tilespmem:s3], [sflag:$0x1] =	stream.linear.gather [hbm4b:s4+s3], $0x4000, $0x200038;
	[tilespmem:$0x8100] =	vst v63  }
0x1e: {  	_ = 	snop  }
0x1f: {  	[tilespmem:s6], [sflag:$0x3] =	stream.linear.gather [hbm4b:s5+s3], $0x80, $0x200038;
	[tilespmem:$0x8100] =	vst v63  }
0x20: {  	_ =	strace $0x90000048  }
0x21: {  	_ =	strace $0x80000049  }
0x22: {  	_ =	swait.ge [sflag:s7], $0x4000  }
0x23: {  	[sflag:s7] =	ssyncset.done $0x0  }
0x24: {  	[sflag:s7] =	ssyncadd.s32 $0xFFFFC000  }
0x25: {  	_ =	strace $0x90000049  }
0x26: {  	_ =	strace $0x8000004A  }
0x27: {  	_ =	swait.ge [sflag:s8], $0x80  }
0x28: {  	[sflag:s8] =	ssyncset.done $0x0  }
0x29: {  	[sflag:s8] =	ssyncadd.s32 $0xFFFFFF80  }
0x2a: {  	_ =	strace $0x9000004A  }
.Ltmp1:
0x2b: {  	_ =	strace $0x8000004B;
	(pc) =	sbr.rel @p0 .LBB2_1-.Ltmp1, $4  }
0x2c: {  	[hbm4b:s2+s9] =	stream.indirect.scatter [tilespmem:s3], [sflag:$0x5], $0x80, s6, s9, $0x2000b8;
	[tilespmem:$0x8100] =	vst v63  }
0x2d: {  	_ =	swait.ge [sflag:s10], $0x4000  }
0x2e: {  	[sflag:s10] =	ssyncset.done $0x0  }
0x2f: {  	[sflag:s10] =	ssyncadd.s32 $0xFFFFC000  }
.LBB2_2:
0x30: {  	_ =	strace $0x9000004B  }
0x31: {  	_ =	sfence.sel $0x180000  }
0x32: {  	[bflag:$0x0] =	sbarrier.arrive $0xFFFF  }
0x33: {  	p0 =	sne.s32 s1, $0x0;
	_ =	strace $0x90000047  }
0x34: {  	s0 =	sadd.s32 @!p0 $0x100000, s0;
	[bflag:$0x2] =	sbarrier.arrive $0xFFFF  }
0x35: {  	[sflag:s0] =	ssyncadd.tile.s32 @!p0 $0x1;
	_ =	shalt  }
.Lfunc_end2:
_tile_overlayer_lowered:
.L_overlay_start_2:
0x36: {  	(tag) =	ssettag $0x2  }
0x37: {  	s0 =	rddreg [dreg:$0x0];
	s2 =	stileid.u32  }
0x38: {  	s1 =	rddreg [dreg:$0x1];
	p0 =	sne.s32 s2, $0x0  }
0x39: {  	s3 =	rddreg [dreg:$0x2];
	[bflag:$0x3] =	sbarrier.arrive $0xFFFF;
	s2 =	simm.s32 @!p0 $0x1C01  }
0x3a: {  	[timem:s3], [sflag:s2] =	dma.local @!p0 [hbm:s0], s1  }
0x3b: {  	s0 =	simm.s32 @!p0 $0x1  }
0x3c: {  	_ =	swait.ge @!p0 [sflag:s0], s1  }
0x3d: {  	s1 =	ssub.s32 @!p0 $0x0, s1;
	[sflag:s0] =	ssyncset.done @!p0 $0x0  }
0x3e: {  	[sflag:s0] =	ssyncadd.s32 @!p0 s1  }
0x3f: {  	[bflag:$0x3] =	sbarrier.arrive $0xFFFF  }
0x40: {  	_ =	shalt  }

</sc_bundles>
